<compile_context>
chip_gen: v7x
topology: tpu7x:2x2x1
jax: 0.10.2.dev20260603
libtpu: 0.0.44.dev20260713+nightly
codegen_flags: <defaults>
</compile_context>

<pallas_src>
import jax
import jax.numpy as jnp
from jax import lax
from jax.experimental import pallas as pl
from jax.experimental.pallas import tpu as pltpu
from jax.experimental.pallas import tpu_sc as plsc

N_NODES = 10000
N_EDGES = 320000
MEM_DIM = 128
EDGE_DIM = 16
TIME_DIM = 128
NC = 2
NS = 16
N_TILES = NC * NS
EDGES_PER_TILE = N_EDGES // N_TILES
CHUNK = 80
N_CHUNKS = EDGES_PER_TILE // CHUNK
N_PAD = 10240
ROWS_PER_TILE = N_PAD // NS
LANES = 16
EB = 2000


def _proj_body(mem_ref, wa_ref, wb_ref, pa_ref, pb_ref):
    m = mem_ref[...]
    pa_ref[...] = jnp.dot(m, wa_ref[...], preferred_element_type=jnp.float32)
    pb_ref[...] = jnp.dot(m, wb_ref[...], preferred_element_type=jnp.float32)


def _project_tables(memory, wa, wb):
    return pl.pallas_call(
        _proj_body,
        out_shape=(
            jax.ShapeDtypeStruct((N_NODES, MEM_DIM), jnp.float32),
            jax.ShapeDtypeStruct((N_NODES, MEM_DIM), jnp.float32),
        ),
    )(memory, wa, wb)


def _edge_body(ts_ref, ef_ref, dst_ref, wt_ref, bt_ref, we_ref, wtm_ref,
               bm_ref, e_ref, cnt_ref):
    i = pl.program_id(0)
    t = ts_ref[0]
    a = wt_ref[...] * t + bt_ref[...]
    v = a * 0.15915494309189535
    r = v - jnp.round(v)
    u = r * r
    p = 6.575611642716226
    for coef in (-26.000527873747124, 60.176230338867754, -85.45116579292079,
                 64.9391722325954, -19.73920555404448, 0.999999992290297):
        p = p * u + coef
    tencT = p
    acc = lax.dot_general(tencT.astype(jnp.bfloat16), wtm_ref[...],
                          (((0,), (0,)), ((), ())),
                          preferred_element_type=jnp.float32)
    acc += jnp.dot(ef_ref[...].astype(jnp.bfloat16), we_ref[...],
                   preferred_element_type=jnp.float32)
    e_ref[...] = acc + bm_ref[...]
    d = dst_ref[0]
    iota = lax.broadcasted_iota(jnp.int32, (MEM_DIM, EB), 0)
    oh_lo = (jnp.bitwise_and(d, 127) == iota).astype(jnp.bfloat16)
    oh_hi = (jnp.right_shift(d, 7) == iota).astype(jnp.bfloat16)
    part = lax.dot_general(oh_hi, oh_lo, (((1,), (1,)), ((), ())),
                           preferred_element_type=jnp.float32)

    @pl.when(i == 0)
    def _():
        cnt_ref[...] = jnp.zeros_like(cnt_ref)

    cnt_ref[...] += part


def _edge_dense(ts2, ef, dst2, w_time, b_time, we, wt, b_msg):
    grid = (N_EDGES // EB,)
    return pl.pallas_call(
        _edge_body,
        grid=grid,
        in_specs=[
            pl.BlockSpec((1, 1, EB), lambda i: (i, 0, 0)),
            pl.BlockSpec((EB, EDGE_DIM), lambda i: (i, 0)),
            pl.BlockSpec((1, 1, EB), lambda i: (i, 0, 0)),
            pl.BlockSpec((TIME_DIM, 1), lambda i: (0, 0)),
            pl.BlockSpec((TIME_DIM, 1), lambda i: (0, 0)),
            pl.BlockSpec((EDGE_DIM, MEM_DIM), lambda i: (0, 0)),
            pl.BlockSpec((TIME_DIM, MEM_DIM), lambda i: (0, 0)),
            pl.BlockSpec((1, MEM_DIM), lambda i: (0, 0)),
        ],
        out_specs=(
            pl.BlockSpec((EB, MEM_DIM), lambda i: (i, 0)),
            pl.BlockSpec((MEM_DIM, MEM_DIM), lambda i: (0, 0)),
        ),
        out_shape=(
            jax.ShapeDtypeStruct((N_EDGES, MEM_DIM), jnp.float32),
            jax.ShapeDtypeStruct((MEM_DIM, MEM_DIM), jnp.float32),
        ),
    )(ts2, ef, dst2, w_time, b_time, we, wt, b_msg)


def _sc_body(psrc, pdst, e_hbm, src3, dst3,
             agg_out,
             idx_sc, idx_dc, rs, rd, eb, sem,
             agg_sh):
    c = lax.axis_index("c")
    s = lax.axis_index("s")
    wid = c * NS + s
    row0 = s * ROWS_PER_TILE

    def zrow(i, carry2):
        for k in range(MEM_DIM // LANES):
            rs[i, pl.ds(k * LANES, LANES)] = jnp.zeros((LANES,), jnp.float32)
        return carry2

    lax.fori_loop(0, CHUNK, zrow, 0)
    for b in range(ROWS_PER_TILE // CHUNK):
        pltpu.sync_copy(rs, agg_sh.at[pl.ds(row0 + b * CHUNK, CHUNK)])

    plsc.subcore_barrier()

    ebase = wid * EDGES_PER_TILE

    def chunk(j, carry):
        pltpu.sync_copy(src3.at[wid, j], idx_sc)
        pltpu.sync_copy(dst3.at[wid, j], idx_dc)
        cp_s = pltpu.async_copy(psrc.at[idx_sc], rs, sem)
        cp_d = pltpu.async_copy(pdst.at[idx_dc], rd, sem)
        cp_e = pltpu.async_copy(e_hbm.at[pl.ds(ebase + j * CHUNK, CHUNK)], eb, sem)
        cp_s.wait()
        cp_d.wait()
        cp_e.wait()

        def row1(i, carry2):
            for k in range(MEM_DIM // LANES):
                sl = pl.ds(k * LANES, LANES)
                rs[i, sl] = jnp.maximum(rs[i, sl] + rd[i, sl] + eb[i, sl], 0.0)
            return carry2

        lax.fori_loop(0, CHUNK, row1, 0)

        pltpu.sync_copy(rs, agg_sh.at[idx_dc], add=True)
        return carry

    lax.fori_loop(0, N_CHUNKS, chunk, 0)
    plsc.subcore_barrier()

    for b in range(ROWS_PER_TILE // CHUNK):
        r0 = row0 + b * CHUNK
        pltpu.sync_copy(agg_sh.at[pl.ds(r0, CHUNK)], rs)
        pltpu.sync_copy(rs, agg_out.at[c, pl.ds(r0, CHUNK)])


def _sc_aggregate(psrc, pdst, e, src3, dst3):
    mesh = plsc.VectorSubcoreMesh(core_axis_name="c", subcore_axis_name="s")
    f = pl.kernel(
        _sc_body,
        out_type=jax.ShapeDtypeStruct((NC, N_PAD, MEM_DIM), jnp.float32),
        mesh=mesh,
        scratch_types=[
            pltpu.VMEM((CHUNK,), jnp.int32),
            pltpu.VMEM((CHUNK,), jnp.int32),
            pltpu.VMEM((CHUNK, MEM_DIM), jnp.float32),
            pltpu.VMEM((CHUNK, MEM_DIM), jnp.float32),
            pltpu.VMEM((CHUNK, MEM_DIM), jnp.float32),
            pltpu.SemaphoreType.DMA,
            pltpu.VMEM_SHARED((N_PAD, MEM_DIM), jnp.float32),
        ],
    )
    return f(psrc, pdst, e, src3, dst3)


def _head_body(agg_ref, cnt_ref, mem_ref, wi_ref, wh_ref, bi_ref, bh_ref,
               wfc_ref, bfc_ref, out_ref):
    a = agg_ref[0, :N_NODES] + agg_ref[1, :N_NODES]
    agg = a / jnp.maximum(cnt_ref[...], 1.0)
    mem = mem_ref[...]
    gi = jnp.dot(agg, wi_ref[...], preferred_element_type=jnp.float32) + bi_ref[...]
    gh = jnp.dot(mem, wh_ref[...], preferred_element_type=jnp.float32) + bh_ref[...]
    r = jax.nn.sigmoid(gi[:, :MEM_DIM] + gh[:, :MEM_DIM])
    z = jax.nn.sigmoid(gi[:, MEM_DIM:2 * MEM_DIM] + gh[:, MEM_DIM:2 * MEM_DIM])
    n = jnp.tanh(gi[:, 2 * MEM_DIM:] + r * gh[:, 2 * MEM_DIM:])
    upd = (1.0 - z) * n + z * mem
    tot = jnp.sum(upd, axis=0, keepdims=True) - upd[0:1, :]
    feat = jnp.tanh(tot / (N_NODES - 1.0))
    logits = jnp.dot(feat, wfc_ref[...], preferred_element_type=jnp.float32) + bfc_ref[...]
    m = jnp.max(logits, axis=1, keepdims=True)
    ex = jnp.exp(logits - m)
    out_ref[...] = ex / jnp.sum(ex, axis=1, keepdims=True)


def _gru_head(agg2, counts, memory, wi, wh, bi, bh, wfc, bfc):
    return pl.pallas_call(
        _head_body,
        out_shape=jax.ShapeDtypeStruct((1, 2), jnp.float32),
    )(agg2, counts, memory, wi, wh, bi, bh, wfc, bfc)


def kernel(sources, destinations, timestamps, edge_features, memory,
           w_time, b_time, W_msg, b_msg, W_i, W_h, b_i, b_h, W_fc, b_fc):
    wa = W_msg[:MEM_DIM]
    wb = W_msg[MEM_DIM:2 * MEM_DIM]
    we = W_msg[2 * MEM_DIM:2 * MEM_DIM + EDGE_DIM]
    wt = W_msg[2 * MEM_DIM + EDGE_DIM:]

    psrc, pdst = _project_tables(memory, wa, wb)
    e, cnt2d = _edge_dense(
        timestamps.reshape(N_EDGES // EB, 1, EB),
        edge_features,
        destinations.reshape(N_EDGES // EB, 1, EB),
        w_time.reshape(TIME_DIM, 1),
        b_time.reshape(TIME_DIM, 1),
        we.astype(jnp.bfloat16), wt.astype(jnp.bfloat16),
        b_msg.reshape(1, MEM_DIM),
    )
    counts = cnt2d.reshape(MEM_DIM * MEM_DIM, 1)[:N_NODES]

    src3 = sources.reshape(N_TILES, N_CHUNKS, CHUNK)
    dst3 = destinations.reshape(N_TILES, N_CHUNKS, CHUNK)

    agg2 = _sc_aggregate(psrc, pdst, e, src3, dst3)

    return _gru_head(
        agg2, counts, memory, W_i, W_h,
        b_i.reshape(1, 3 * MEM_DIM), b_h.reshape(1, 3 * MEM_DIM),
        W_fc, b_fc.reshape(1, 2),
    )

# --- scband reference (transcript-rebuilt; emitter-appended) ---
"""Pipeline reference for scband-net-60103772340724 (READ-ONLY COPY).

The authoritative reference and input builder live on the scoring server;
editing this copy changes nothing except your own understanding.
"""

import jax, jax.numpy as jnp
import numpy as np

N_NODES = 10000
N_EDGES = 320000
MEM_DIM = 128
MSG_DIM = 128
EDGE_DIM = 16
TIME_DIM = 128
RAW_DIM = 2 * MEM_DIM + EDGE_DIM + TIME_DIM  # 400


def setup_inputs(seed: int = 0) -> dict:
    key = jax.random.key(seed)
    ks = jax.random.split(key, 16)
    inp = {}
    inp["sources"] = jax.random.randint(ks[0], (N_EDGES,), 0, N_NODES, dtype=jnp.int32)
    inp["destinations"] = jax.random.randint(ks[1], (N_EDGES,), 0, N_NODES, dtype=jnp.int32)
    inp["timestamps"] = jax.random.uniform(ks[2], (N_EDGES,), dtype=jnp.float32)
    inp["edge_features"] = jax.random.normal(ks[3], (N_EDGES, EDGE_DIM), dtype=jnp.float32)
    inp["memory"] = jax.random.normal(ks[4], (N_NODES, MEM_DIM), dtype=jnp.float32)
    inp["w_time"] = jax.random.normal(ks[5], (TIME_DIM,), dtype=jnp.float32)
    inp["b_time"] = jax.random.normal(ks[6], (TIME_DIM,), dtype=jnp.float32)
    inp["W_msg"] = jax.random.normal(ks[7], (RAW_DIM, MSG_DIM), dtype=jnp.float32) * 0.05
    inp["b_msg"] = jax.random.normal(ks[8], (MSG_DIM,), dtype=jnp.float32) * 0.05
    inp["W_i"] = jax.random.normal(ks[9], (MSG_DIM, 3 * MEM_DIM), dtype=jnp.float32) * 0.05
    inp["W_h"] = jax.random.normal(ks[10], (MEM_DIM, 3 * MEM_DIM), dtype=jnp.float32) * 0.05
    inp["b_i"] = jax.random.normal(ks[11], (3 * MEM_DIM,), dtype=jnp.float32) * 0.05
    inp["b_h"] = jax.random.normal(ks[12], (3 * MEM_DIM,), dtype=jnp.float32) * 0.05
    inp["W_fc"] = jax.random.normal(ks[13], (MEM_DIM, 2), dtype=jnp.float32) * 0.05
    inp["b_fc"] = jax.random.normal(ks[14], (2,), dtype=jnp.float32) * 0.05
    return inp


def reference(sources, destinations, timestamps, edge_features, memory,
              w_time, b_time, W_msg, b_msg, W_i, W_h, b_i, b_h, W_fc, b_fc):
    n_nodes = memory.shape[0]
    # --- TGN message computation (gather source/destination memory) ---
    src_mem = jnp.take(memory, sources, axis=0)
    dst_mem = jnp.take(memory, destinations, axis=0)
    # time encoding (cosine basis, as in TGN's TimeEncode)
    t_enc = jnp.cos(timestamps[:, None] * w_time[None, :] + b_time[None, :])
    raw_msg = jnp.concatenate([src_mem, dst_mem, edge_features, t_enc], axis=1)
    # MLP message function
    msg = jnp.maximum(raw_msg @ W_msg + b_msg, 0.0)
    # --- mean aggregator per destination node (scatter-add) ---
    agg_sum = jax.ops.segment_sum(msg, destinations, num_segments=n_nodes)
    counts = jax.ops.segment_sum(jnp.ones((msg.shape[0],), msg.dtype), destinations, num_segments=n_nodes)
    agg = agg_sum / jnp.maximum(counts, 1.0)[:, None]
    # --- GRU memory updater ---
    gi = agg @ W_i + b_i
    gh = memory @ W_h + b_h
    i_r, i_z, i_n = jnp.split(gi, 3, axis=1)
    h_r, h_z, h_n = jnp.split(gh, 3, axis=1)
    r = jax.nn.sigmoid(i_r + h_r)
    z = jax.nn.sigmoid(i_z + h_z)
    n = jnp.tanh(i_n + r * h_n)
    updated_embedding = (1.0 - z) * n + z * memory
    # --- readout head: mean over nodes[1:], fc2, tanh, softmax ---
    out_feature = jnp.mean(updated_embedding[1:].astype(jnp.float32), axis=0)
    out_feature = jnp.tanh(out_feature) @ W_fc + b_fc
    class_outputs = jax.nn.softmax(out_feature.reshape(1, -1), axis=1)
    return class_outputs

if __name__ == "__main__":
    import jax
    _d = setup_inputs()
    print(jax.jit(kernel)(*tuple(_d.values())))

</pallas_src>

<mosaic_0001>
#map = affine_map<(d0, d1) -> (0, 0)>
#map1 = affine_map<(d0, d1) -> (0, 0, 0)>
module attributes {stable_mosaic.version = 14 : i64} {
  func.func @_sc_body(%arg0: i32, %arg1: i32, %arg2: memref<10000x128xf32, #tpu.memory_space<hbm>>, %arg3: memref<10000x128xf32, #tpu.memory_space<hbm>>, %arg4: memref<320000x128xf32, #tpu.memory_space<hbm>>, %arg5: memref<32x125x80xi32, #tpu.memory_space<hbm>>, %arg6: memref<32x125x80xi32, #tpu.memory_space<hbm>>, %arg7: memref<2x10240x128xf32, #tpu.memory_space<hbm>>, %arg8: memref<80xi32, #tpu.memory_space<vmem>>, %arg9: memref<80xi32, #tpu.memory_space<vmem>>, %arg10: memref<80x128xf32, #tpu.memory_space<vmem>>, %arg11: memref<80x128xf32, #tpu.memory_space<vmem>>, %arg12: memref<80x128xf32, #tpu.memory_space<vmem>>, %arg13: memref<!tpu.dma_semaphore, #tpu.memory_space<semaphore_mem>>, %arg14: memref<10240x128xf32, #tpu.memory_space<vmem_shared>>) attributes {dimension_semantics = [#tpu.dimension_semantics<core_parallel>, #tpu.dimension_semantics<subcore_parallel>], iteration_bounds = array<i64: 2, 16>, scalar_prefetch = 0 : i64, scratch_operands = 7 : i64, tpu.core_type = #tpu.core_type<sc_vector_subcore>, window_params = [{transform_indices = #map}, {transform_indices = #map}, {transform_indices = #map}, {transform_indices = #map1}, {transform_indices = #map1}, {transform_indices = #map1}]} {
    %mul3A = arith.constant 16 : i32
    %mul3A_0 = arith.muli %arg0, %mul3A : i32
    %add3A = arith.addi %mul3A_0, %arg1 : i32
    %mul3A_1 = arith.constant 640 : i32
    %mul3A_2 = arith.muli %arg1, %mul3A_1 : i32
    %scan3A = arith.constant 0 : i32
    %scan3A_3 = arith.constant 0 : i32
    %scan3A_4 = arith.constant 80 : i32
    %scan3A_5 = arith.addi %scan3A_3, %scan3A_4 : i32
    %scan3A_6 = arith.constant 1 : i32
    scf.for %scan3A_49 = %scan3A_3 to %scan3A_5 step %scan3A_6  : i32 {
      %broadcast_in_dim3A = arith.constant 0.000000e+00 : f32
      %broadcast_in_dim3A_50 = vector.broadcast %broadcast_in_dim3A : f32 to vector<16xf32>
      %swap3A = arith.index_cast %scan3A_49 : i32 to index
      %swap3A_51 = arith.constant 0 : index
      %swap3A_52 = tpu.vector_load %arg10[%swap3A, %swap3A_51] {strides = array<i32>} : memref<80x128xf32, #tpu.memory_space<vmem>>, vector<1x16xf32>,
      %swap3A_53 = vector.shape_cast %swap3A_52 : vector<1x16xf32> to vector<16xf32>
      %swap3A_54 = vector.shape_cast %broadcast_in_dim3A_50 : vector<16xf32> to vector<1x16xf32>
      tpu.vector_store %arg10[%swap3A, %swap3A_51], %swap3A_54 {strides = array<i32>} : memref<80x128xf32, #tpu.memory_space<vmem>>, vector<1x16xf32>,
      %broadcast_in_dim3A_55 = arith.constant 0.000000e+00 : f32
      %broadcast_in_dim3A_56 = vector.broadcast %broadcast_in_dim3A_55 : f32 to vector<16xf32>
      %swap3A_57 = arith.index_cast %scan3A_49 : i32 to index
      %swap3A_58 = arith.constant 16 : index
      %swap3A_59 = tpu.vector_load %arg10[%swap3A_57, %swap3A_58] {strides = array<i32>} : memref<80x128xf32, #tpu.memory_space<vmem>>, vector<1x16xf32>,
      %swap3A_60 = vector.shape_cast %swap3A_59 : vector<1x16xf32> to vector<16xf32>
      %swap3A_61 = vector.shape_cast %broadcast_in_dim3A_56 : vector<16xf32> to vector<1x16xf32>
      tpu.vector_store %arg10[%swap3A_57, %swap3A_58], %swap3A_61 {strides = array<i32>} : memref<80x128xf32, #tpu.memory_space<vmem>>, vector<1x16xf32>,
      %broadcast_in_dim3A_62 = arith.constant 0.000000e+00 : f32
      %broadcast_in_dim3A_63 = vector.broadcast %broadcast_in_dim3A_62 : f32 to vector<16xf32>
      %swap3A_64 = arith.index_cast %scan3A_49 : i32 to index
      %swap3A_65 = arith.constant 32 : index
      %swap3A_66 = tpu.vector_load %arg10[%swap3A_64, %swap3A_65] {strides = array<i32>} : memref<80x128xf32, #tpu.memory_space<vmem>>, vector<1x16xf32>,
      %swap3A_67 = vector.shape_cast %swap3A_66 : vector<1x16xf32> to vector<16xf32>
      %swap3A_68 = vector.shape_cast %broadcast_in_dim3A_63 : vector<16xf32> to vector<1x16xf32>
      tpu.vector_store %arg10[%swap3A_64, %swap3A_65], %swap3A_68 {strides = array<i32>} : memref<80x128xf32, #tpu.memory_space<vmem>>, vector<1x16xf32>,
      %broadcast_in_dim3A_69 = arith.constant 0.000000e+00 : f32
      %broadcast_in_dim3A_70 = vector.broadcast %broadcast_in_dim3A_69 : f32 to vector<16xf32>
      %swap3A_71 = arith.index_cast %scan3A_49 : i32 to index
      %swap3A_72 = arith.constant 48 : index
      %swap3A_73 = tpu.vector_load %arg10[%swap3A_71, %swap3A_72] {strides = array<i32>} : memref<80x128xf32, #tpu.memory_space<vmem>>, vector<1x16xf32>,
      %swap3A_74 = vector.shape_cast %swap3A_73 : vector<1x16xf32> to vector<16xf32>
      %swap3A_75 = vector.shape_cast %broadcast_in_dim3A_70 : vector<16xf32> to vector<1x16xf32>
      tpu.vector_store %arg10[%swap3A_71, %swap3A_72], %swap3A_75 {strides = array<i32>} : memref<80x128xf32, #tpu.memory_space<vmem>>, vector<1x16xf32>,
      %broadcast_in_dim3A_76 = arith.constant 0.000000e+00 : f32
      %broadcast_in_dim3A_77 = vector.broadcast %broadcast_in_dim3A_76 : f32 to vector<16xf32>
      %swap3A_78 = arith.index_cast %scan3A_49 : i32 to index
      %swap3A_79 = arith.constant 64 : index
      %swap3A_80 = tpu.vector_load %arg10[%swap3A_78, %swap3A_79] {strides = array<i32>} : memref<80x128xf32, #tpu.memory_space<vmem>>, vector<1x16xf32>,
      %swap3A_81 = vector.shape_cast %swap3A_80 : vector<1x16xf32> to vector<16xf32>
      %swap3A_82 = vector.shape_cast %broadcast_in_dim3A_77 : vector<16xf32> to vector<1x16xf32>
      tpu.vector_store %arg10[%swap3A_78, %swap3A_79], %swap3A_82 {strides = array<i32>} : memref<80x128xf32, #tpu.memory_space<vmem>>, vector<1x16xf32>,
      %broadcast_in_dim3A_83 = arith.constant 0.000000e+00 : f32
      %broadcast_in_dim3A_84 = vector.broadcast %broadcast_in_dim3A_83 : f32 to vector<16xf32>
      %swap3A_85 = arith.index_cast %scan3A_49 : i32 to index
      %swap3A_86 = arith.constant 80 : index
      %swap3A_87 = tpu.vector_load %arg10[%swap3A_85, %swap3A_86] {strides = array<i32>} : memref<80x128xf32, #tpu.memory_space<vmem>>, vector<1x16xf32>,
      %swap3A_88 = vector.shape_cast %swap3A_87 : vector<1x16xf32> to vector<16xf32>
      %swap3A_89 = vector.shape_cast %broadcast_in_dim3A_84 : vector<16xf32> to vector<1x16xf32>
      tpu.vector_store %arg10[%swap3A_85, %swap3A_86], %swap3A_89 {strides = array<i32>} : memref<80x128xf32, #tpu.memory_space<vmem>>, vector<1x16xf32>,
      %broadcast_in_dim3A_90 = arith.constant 0.000000e+00 : f32
      %broadcast_in_dim3A_91 = vector.broadcast %broadcast_in_dim3A_90 : f32 to vector<16xf32>
      %swap3A_92 = arith.index_cast %scan3A_49 : i32 to index
      %swap3A_93 = arith.constant 96 : index
      %swap3A_94 = tpu.vector_load %arg10[%swap3A_92, %swap3A_93] {strides = array<i32>} : memref<80x128xf32, #tpu.memory_space<vmem>>, vector<1x16xf32>,
      %swap3A_95 = vector.shape_cast %swap3A_94 : vector<1x16xf32> to vector<16xf32>
      %swap3A_96 = vector.shape_cast %broadcast_in_dim3A_91 : vector<16xf32> to vector<1x16xf32>
      tpu.vector_store %arg10[%swap3A_92, %swap3A_93], %swap3A_96 {strides = array<i32>} : memref<80x128xf32, #tpu.memory_space<vmem>>, vector<1x16xf32>,
      %broadcast_in_dim3A_97 = arith.constant 0.000000e+00 : f32
      %broadcast_in_dim3A_98 = vector.broadcast %broadcast_in_dim3A_97 : f32 to vector<16xf32>
      %swap3A_99 = arith.index_cast %scan3A_49 : i32 to index
      %swap3A_100 = arith.constant 112 : index
      %swap3A_101 = tpu.vector_load %arg10[%swap3A_99, %swap3A_100] {strides = array<i32>} : memref<80x128xf32, #tpu.memory_space<vmem>>, vector<1x16xf32>,
      %swap3A_102 = vector.shape_cast %swap3A_101 : vector<1x16xf32> to vector<16xf32>
      %swap3A_103 = vector.shape_cast %broadcast_in_dim3A_98 : vector<16xf32> to vector<1x16xf32>
      tpu.vector_store %arg10[%swap3A_99, %swap3A_100], %swap3A_103 {strides = array<i32>} : memref<80x128xf32, #tpu.memory_space<vmem>>, vector<1x16xf32>,
    }
    %scan3A_7 = arith.constant 80 : i32
    %add3A_8 = arith.constant 0 : i32
    %add3A_9 = arith.addi %mul3A_2, %add3A_8 : i32
    "tpu.region"() ({
      %run_scoped3A = tpu.sem_alloc : memref<!tpu.dma_semaphore, #tpu.memory_space<semaphore_mem>>
      %dma_start3A = arith.constant 0 : i32
      %dma_start3A_49 = tpu.memref_slice %arg14[%add3A_9, %dma_start3A] : memref<10240x128xf32, #tpu.memory_space<vmem_shared>> -> memref<80x128xf32, #tpu.memory_space<vmem_shared>>
      %dma_start3A_50 = arith.constant 0 : i32
      %dma_start3A_51 = tpu.memref_slice %arg14[%add3A_9, %dma_start3A_50] : memref<10240x128xf32, #tpu.memory_space<vmem_shared>> -> memref<80x128xf32, #tpu.memory_space<vmem_shared>>
      tpu.enqueue_dma source(%arg10 : memref<80x128xf32, #tpu.memory_space<vmem>>) target(%dma_start3A_51 : memref<80x128xf32, #tpu.memory_space<vmem_shared>>) target_semaphore(%run_scoped3A : memref<!tpu.dma_semaphore, #tpu.memory_space<semaphore_mem>>)
      %dma_wait3A = arith.constant 0 : i32
      %dma_wait3A_52 = tpu.memref_slice %arg14[%add3A_9, %dma_wait3A] : memref<10240x128xf32, #tpu.memory_space<vmem_shared>> -> memref<80x128xf32, #tpu.memory_space<vmem_shared>>
      %dma_wait3A_53 = arith.constant 0 : i32
      %dma_wait3A_54 = tpu.memref_slice %arg14[%add3A_9, %dma_wait3A_53] : memref<10240x128xf32, #tpu.memory_space<vmem_shared>> -> memref<80x128xf32, #tpu.memory_space<vmem_shared>>
      tpu.wait_dma2 semaphore(%run_scoped3A : memref<!tpu.dma_semaphore, #tpu.memory_space<semaphore_mem>>) src(%arg10 : memref<80x128xf32, #tpu.memory_space<vmem>>) dst(%dma_wait3A_54 : memref<80x128xf32, #tpu.memory_space<vmem_shared>>)
      tpu.yield
    }) : () -> ()
    %add3A_10 = arith.constant 80 : i32
    %add3A_11 = arith.addi %mul3A_2, %add3A_10 : i32
    "tpu.region"() ({
      %run_scoped3A = tpu.sem_alloc : memref<!tpu.dma_semaphore, #tpu.memory_space<semaphore_mem>>
      %dma_start3A = arith.constant 0 : i32
      %dma_start3A_49 = tpu.memref_slice %arg14[%add3A_11, %dma_start3A] : memref<10240x128xf32, #tpu.memory_space<vmem_shared>> -> memref<80x128xf32, #tpu.memory_space<vmem_shared>>
      %dma_start3A_50 = arith.constant 0 : i32
      %dma_start3A_51 = tpu.memref_slice %arg14[%add3A_11, %dma_start3A_50] : memref<10240x128xf32, #tpu.memory_space<vmem_shared>> -> memref<80x128xf32, #tpu.memory_space<vmem_shared>>
      tpu.enqueue_dma source(%arg10 : memref<80x128xf32, #tpu.memory_space<vmem>>) target(%dma_start3A_51 : memref<80x128xf32, #tpu.memory_space<vmem_shared>>) target_semaphore(%run_scoped3A : memref<!tpu.dma_semaphore, #tpu.memory_space<semaphore_mem>>)
      %dma_wait3A = arith.constant 0 : i32
      %dma_wait3A_52 = tpu.memref_slice %arg14[%add3A_11, %dma_wait3A] : memref<10240x128xf32, #tpu.memory_space<vmem_shared>> -> memref<80x128xf32, #tpu.memory_space<vmem_shared>>
      %dma_wait3A_53 = arith.constant 0 : i32
      %dma_wait3A_54 = tpu.memref_slice %arg14[%add3A_11, %dma_wait3A_53] : memref<10240x128xf32, #tpu.memory_space<vmem_shared>> -> memref<80x128xf32, #tpu.memory_space<vmem_shared>>
      tpu.wait_dma2 semaphore(%run_scoped3A : memref<!tpu.dma_semaphore, #tpu.memory_space<semaphore_mem>>) src(%arg10 : memref<80x128xf32, #tpu.memory_space<vmem>>) dst(%dma_wait3A_54 : memref<80x128xf32, #tpu.memory_space<vmem_shared>>)
      tpu.yield
    }) : () -> ()
    %add3A_12 = arith.constant 160 : i32
    %add3A_13 = arith.addi %mul3A_2, %add3A_12 : i32
    "tpu.region"() ({
      %run_scoped3A = tpu.sem_alloc : memref<!tpu.dma_semaphore, #tpu.memory_space<semaphore_mem>>
      %dma_start3A = arith.constant 0 : i32
      %dma_start3A_49 = tpu.memref_slice %arg14[%add3A_13, %dma_start3A] : memref<10240x128xf32, #tpu.memory_space<vmem_shared>> -> memref<80x128xf32, #tpu.memory_space<vmem_shared>>
      %dma_start3A_50 = arith.constant 0 : i32
      %dma_start3A_51 = tpu.memref_slice %arg14[%add3A_13, %dma_start3A_50] : memref<10240x128xf32, #tpu.memory_space<vmem_shared>> -> memref<80x128xf32, #tpu.memory_space<vmem_shared>>
      tpu.enqueue_dma source(%arg10 : memref<80x128xf32, #tpu.memory_space<vmem>>) target(%dma_start3A_51 : memref<80x128xf32, #tpu.memory_space<vmem_shared>>) target_semaphore(%run_scoped3A : memref<!tpu.dma_semaphore, #tpu.memory_space<semaphore_mem>>)
      %dma_wait3A = arith.constant 0 : i32
      %dma_wait3A_52 = tpu.memref_slice %arg14[%add3A_13, %dma_wait3A] : memref<10240x128xf32, #tpu.memory_space<vmem_shared>> -> memref<80x128xf32, #tpu.memory_space<vmem_shared>>
      %dma_wait3A_53 = arith.constant 0 : i32
      %dma_wait3A_54 = tpu.memref_slice %arg14[%add3A_13, %dma_wait3A_53] : memref<10240x128xf32, #tpu.memory_space<vmem_shared>> -> memref<80x128xf32, #tpu.memory_space<vmem_shared>>
      tpu.wait_dma2 semaphore(%run_scoped3A : memref<!tpu.dma_semaphore, #tpu.memory_space<semaphore_mem>>) src(%arg10 : memref<80x128xf32, #tpu.memory_space<vmem>>) dst(%dma_wait3A_54 : memref<80x128xf32, #tpu.memory_space<vmem_shared>>)
      tpu.yield
    }) : () -> ()
    %add3A_14 = arith.constant 240 : i32
    %add3A_15 = arith.addi %mul3A_2, %add3A_14 : i32
    "tpu.region"() ({
      %run_scoped3A = tpu.sem_alloc : memref<!tpu.dma_semaphore, #tpu.memory_space<semaphore_mem>>
      %dma_start3A = arith.constant 0 : i32
      %dma_start3A_49 = tpu.memref_slice %arg14[%add3A_15, %dma_start3A] : memref<10240x128xf32, #tpu.memory_space<vmem_shared>> -> memref<80x128xf32, #tpu.memory_space<vmem_shared>>
      %dma_start3A_50 = arith.constant 0 : i32
      %dma_start3A_51 = tpu.memref_slice %arg14[%add3A_15, %dma_start3A_50] : memref<10240x128xf32, #tpu.memory_space<vmem_shared>> -> memref<80x128xf32, #tpu.memory_space<vmem_shared>>
      tpu.enqueue_dma source(%arg10 : memref<80x128xf32, #tpu.memory_space<vmem>>) target(%dma_start3A_51 : memref<80x128xf32, #tpu.memory_space<vmem_shared>>) target_semaphore(%run_scoped3A : memref<!tpu.dma_semaphore, #tpu.memory_space<semaphore_mem>>)
      %dma_wait3A = arith.constant 0 : i32
      %dma_wait3A_52 = tpu.memref_slice %arg14[%add3A_15, %dma_wait3A] : memref<10240x128xf32, #tpu.memory_space<vmem_shared>> -> memref<80x128xf32, #tpu.memory_space<vmem_shared>>
      %dma_wait3A_53 = arith.constant 0 : i32
      %dma_wait3A_54 = tpu.memref_slice %arg14[%add3A_15, %dma_wait3A_53] : memref<10240x128xf32, #tpu.memory_space<vmem_shared>> -> memref<80x128xf32, #tpu.memory_space<vmem_shared>>
      tpu.wait_dma2 semaphore(%run_scoped3A : memref<!tpu.dma_semaphore, #tpu.memory_space<semaphore_mem>>) src(%arg10 : memref<80x128xf32, #tpu.memory_space<vmem>>) dst(%dma_wait3A_54 : memref<80x128xf32, #tpu.memory_space<vmem_shared>>)
      tpu.yield
    }) : () -> ()
    %add3A_16 = arith.constant 320 : i32
    %add3A_17 = arith.addi %mul3A_2, %add3A_16 : i32
    "tpu.region"() ({
      %run_scoped3A = tpu.sem_alloc : memref<!tpu.dma_semaphore, #tpu.memory_space<semaphore_mem>>
      %dma_start3A = arith.constant 0 : i32
      %dma_start3A_49 = tpu.memref_slice %arg14[%add3A_17, %dma_start3A] : memref<10240x128xf32, #tpu.memory_space<vmem_shared>> -> memref<80x128xf32, #tpu.memory_space<vmem_shared>>
      %dma_start3A_50 = arith.constant 0 : i32
      %dma_start3A_51 = tpu.memref_slice %arg14[%add3A_17, %dma_start3A_50] : memref<10240x128xf32, #tpu.memory_space<vmem_shared>> -> memref<80x128xf32, #tpu.memory_space<vmem_shared>>
      tpu.enqueue_dma source(%arg10 : memref<80x128xf32, #tpu.memory_space<vmem>>) target(%dma_start3A_51 : memref<80x128xf32, #tpu.memory_space<vmem_shared>>) target_semaphore(%run_scoped3A : memref<!tpu.dma_semaphore, #tpu.memory_space<semaphore_mem>>)
      %dma_wait3A = arith.constant 0 : i32
      %dma_wait3A_52 = tpu.memref_slice %arg14[%add3A_17, %dma_wait3A] : memref<10240x128xf32, #tpu.memory_space<vmem_shared>> -> memref<80x128xf32, #tpu.memory_space<vmem_shared>>
      %dma_wait3A_53 = arith.constant 0 : i32
      %dma_wait3A_54 = tpu.memref_slice %arg14[%add3A_17, %dma_wait3A_53] : memref<10240x128xf32, #tpu.memory_space<vmem_shared>> -> memref<80x128xf32, #tpu.memory_space<vmem_shared>>
      tpu.wait_dma2 semaphore(%run_scoped3A : memref<!tpu.dma_semaphore, #tpu.memory_space<semaphore_mem>>) src(%arg10 : memref<80x128xf32, #tpu.memory_space<vmem>>) dst(%dma_wait3A_54 : memref<80x128xf32, #tpu.memory_space<vmem_shared>>)
      tpu.yield
    }) : () -> ()
    %add3A_18 = arith.constant 400 : i32
    %add3A_19 = arith.addi %mul3A_2, %add3A_18 : i32
    "tpu.region"() ({
      %run_scoped3A = tpu.sem_alloc : memref<!tpu.dma_semaphore, #tpu.memory_space<semaphore_mem>>
      %dma_start3A = arith.constant 0 : i32
      %dma_start3A_49 = tpu.memref_slice %arg14[%add3A_19, %dma_start3A] : memref<10240x128xf32, #tpu.memory_space<vmem_shared>> -> memref<80x128xf32, #tpu.memory_space<vmem_shared>>
      %dma_start3A_50 = arith.constant 0 : i32
      %dma_start3A_51 = tpu.memref_slice %arg14[%add3A_19, %dma_start3A_50] : memref<10240x128xf32, #tpu.memory_space<vmem_shared>> -> memref<80x128xf32, #tpu.memory_space<vmem_shared>>
      tpu.enqueue_dma source(%arg10 : memref<80x128xf32, #tpu.memory_space<vmem>>) target(%dma_start3A_51 : memref<80x128xf32, #tpu.memory_space<vmem_shared>>) target_semaphore(%run_scoped3A : memref<!tpu.dma_semaphore, #tpu.memory_space<semaphore_mem>>)
      %dma_wait3A = arith.constant 0 : i32
      %dma_wait3A_52 = tpu.memref_slice %arg14[%add3A_19, %dma_wait3A] : memref<10240x128xf32, #tpu.memory_space<vmem_shared>> -> memref<80x128xf32, #tpu.memory_space<vmem_shared>>
      %dma_wait3A_53 = arith.constant 0 : i32
      %dma_wait3A_54 = tpu.memref_slice %arg14[%add3A_19, %dma_wait3A_53] : memref<10240x128xf32, #tpu.memory_space<vmem_shared>> -> memref<80x128xf32, #tpu.memory_space<vmem_shared>>
      tpu.wait_dma2 semaphore(%run_scoped3A : memref<!tpu.dma_semaphore, #tpu.memory_space<semaphore_mem>>) src(%arg10 : memref<80x128xf32, #tpu.memory_space<vmem>>) dst(%dma_wait3A_54 : memref<80x128xf32, #tpu.memory_space<vmem_shared>>)
      tpu.yield
    }) : () -> ()
    %add3A_20 = arith.constant 480 : i32
    %add3A_21 = arith.addi %mul3A_2, %add3A_20 : i32
    "tpu.region"() ({
      %run_scoped3A = tpu.sem_alloc : memref<!tpu.dma_semaphore, #tpu.memory_space<semaphore_mem>>
      %dma_start3A = arith.constant 0 : i32
      %dma_start3A_49 = tpu.memref_slice %arg14[%add3A_21, %dma_start3A] : memref<10240x128xf32, #tpu.memory_space<vmem_shared>> -> memref<80x128xf32, #tpu.memory_space<vmem_shared>>
      %dma_start3A_50 = arith.constant 0 : i32
      %dma_start3A_51 = tpu.memref_slice %arg14[%add3A_21, %dma_start3A_50] : memref<10240x128xf32, #tpu.memory_space<vmem_shared>> -> memref<80x128xf32, #tpu.memory_space<vmem_shared>>
      tpu.enqueue_dma source(%arg10 : memref<80x128xf32, #tpu.memory_space<vmem>>) target(%dma_start3A_51 : memref<80x128xf32, #tpu.memory_space<vmem_shared>>) target_semaphore(%run_scoped3A : memref<!tpu.dma_semaphore, #tpu.memory_space<semaphore_mem>>)
      %dma_wait3A = arith.constant 0 : i32
      %dma_wait3A_52 = tpu.memref_slice %arg14[%add3A_21, %dma_wait3A] : memref<10240x128xf32, #tpu.memory_space<vmem_shared>> -> memref<80x128xf32, #tpu.memory_space<vmem_shared>>
      %dma_wait3A_53 = arith.constant 0 : i32
      %dma_wait3A_54 = tpu.memref_slice %arg14[%add3A_21, %dma_wait3A_53] : memref<10240x128xf32, #tpu.memory_space<vmem_shared>> -> memref<80x128xf32, #tpu.memory_space<vmem_shared>>
      tpu.wait_dma2 semaphore(%run_scoped3A : memref<!tpu.dma_semaphore, #tpu.memory_space<semaphore_mem>>) src(%arg10 : memref<80x128xf32, #tpu.memory_space<vmem>>) dst(%dma_wait3A_54 : memref<80x128xf32, #tpu.memory_space<vmem_shared>>)
      tpu.yield
    }) : () -> ()
    %add3A_22 = arith.constant 560 : i32
    %add3A_23 = arith.addi %mul3A_2, %add3A_22 : i32
    "tpu.region"() ({
      %run_scoped3A = tpu.sem_alloc : memref<!tpu.dma_semaphore, #tpu.memory_space<semaphore_mem>>
      %dma_start3A = arith.constant 0 : i32
      %dma_start3A_49 = tpu.memref_slice %arg14[%add3A_23, %dma_start3A] : memref<10240x128xf32, #tpu.memory_space<vmem_shared>> -> memref<80x128xf32, #tpu.memory_space<vmem_shared>>
      %dma_start3A_50 = arith.constant 0 : i32
      %dma_start3A_51 = tpu.memref_slice %arg14[%add3A_23, %dma_start3A_50] : memref<10240x128xf32, #tpu.memory_space<vmem_shared>> -> memref<80x128xf32, #tpu.memory_space<vmem_shared>>
      tpu.enqueue_dma source(%arg10 : memref<80x128xf32, #tpu.memory_space<vmem>>) target(%dma_start3A_51 : memref<80x128xf32, #tpu.memory_space<vmem_shared>>) target_semaphore(%run_scoped3A : memref<!tpu.dma_semaphore, #tpu.memory_space<semaphore_mem>>)
      %dma_wait3A = arith.constant 0 : i32
      %dma_wait3A_52 = tpu.memref_slice %arg14[%add3A_23, %dma_wait3A] : memref<10240x128xf32, #tpu.memory_space<vmem_shared>> -> memref<80x128xf32, #tpu.memory_space<vmem_shared>>
      %dma_wait3A_53 = arith.constant 0 : i32
      %dma_wait3A_54 = tpu.memref_slice %arg14[%add3A_23, %dma_wait3A_53] : memref<10240x128xf32, #tpu.memory_space<vmem_shared>> -> memref<80x128xf32, #tpu.memory_space<vmem_shared>>
      tpu.wait_dma2 semaphore(%run_scoped3A : memref<!tpu.dma_semaphore, #tpu.memory_space<semaphore_mem>>) src(%arg10 : memref<80x128xf32, #tpu.memory_space<vmem>>) dst(%dma_wait3A_54 : memref<80x128xf32, #tpu.memory_space<vmem_shared>>)
      tpu.yield
    }) : () -> ()
    %barrier3A = arith.constant 0 : index
    tpu.barrier barrier_id(%barrier3A)
    %mul3A_24 = arith.constant 10000 : i32
    %mul3A_25 = arith.muli %add3A, %mul3A_24 : i32
    %scan3A_26 = arith.constant 0 : i32
    %scan3A_27 = arith.constant 0 : i32
    %scan3A_28 = arith.constant 125 : i32
    %scan3A_29 = arith.addi %scan3A_27, %scan3A_28 : i32
    %scan3A_30 = arith.constant 1 : i32
    scf.for %scan3A_49 = %scan3A_27 to %scan3A_29 step %scan3A_30  : i32 {
      "tpu.region"() ({
        %run_scoped3A = tpu.sem_alloc : memref<!tpu.dma_semaphore, #tpu.memory_space<semaphore_mem>>
        %dma_start3A_77 = arith.constant 0 : i32
        %dma_start3A_78 = tpu.memref_slice %arg5[%add3A, %scan3A_49, %dma_start3A_77] : memref<32x125x80xi32, #tpu.memory_space<hbm>> -> memref<1x1x80xi32, #tpu.memory_space<hbm>>
        %dma_start3A_79 = tpu.memref_squeeze %dma_start3A_78 : memref<1x1x80xi32, #tpu.memory_space<hbm>> -> memref<80xi32, #tpu.memory_space<hbm>>
        %dma_start3A_80 = arith.constant 0 : i32
        %dma_start3A_81 = tpu.memref_slice %arg5[%add3A, %scan3A_49, %dma_start3A_80] : memref<32x125x80xi32, #tpu.memory_space<hbm>> -> memref<1x1x80xi32, #tpu.memory_space<hbm>>
        %dma_start3A_82 = tpu.memref_squeeze %dma_start3A_81 : memref<1x1x80xi32, #tpu.memory_space<hbm>> -> memref<80xi32, #tpu.memory_space<hbm>>
        tpu.enqueue_dma source(%dma_start3A_82 : memref<80xi32, #tpu.memory_space<hbm>>) target(%arg8 : memref<80xi32, #tpu.memory_space<vmem>>) target_semaphore(%run_scoped3A : memref<!tpu.dma_semaphore, #tpu.memory_space<semaphore_mem>>)
        %dma_wait3A_83 = arith.constant 0 : i32
        %dma_wait3A_84 = tpu.memref_slice %arg5[%add3A, %scan3A_49, %dma_wait3A_83] : memref<32x125x80xi32, #tpu.memory_space<hbm>> -> memref<1x1x80xi32, #tpu.memory_space<hbm>>
        %dma_wait3A_85 = tpu.memref_squeeze %dma_wait3A_84 : memref<1x1x80xi32, #tpu.memory_space<hbm>> -> memref<80xi32, #tpu.memory_space<hbm>>
        %dma_wait3A_86 = arith.constant 0 : i32
        %dma_wait3A_87 = tpu.memref_slice %arg5[%add3A, %scan3A_49, %dma_wait3A_86] : memref<32x125x80xi32, #tpu.memory_space<hbm>> -> memref<1x1x80xi32, #tpu.memory_space<hbm>>
        %dma_wait3A_88 = tpu.memref_squeeze %dma_wait3A_87 : memref<1x1x80xi32, #tpu.memory_space<hbm>> -> memref<80xi32, #tpu.memory_space<hbm>>
        tpu.wait_dma2 semaphore(%run_scoped3A : memref<!tpu.dma_semaphore, #tpu.memory_space<semaphore_mem>>) src(%dma_wait3A_88 : memref<80xi32, #tpu.memory_space<hbm>>) dst(%arg8 : memref<80xi32, #tpu.memory_space<vmem>>)
        tpu.yield
      }) : () -> ()
      "tpu.region"() ({
        %run_scoped3A = tpu.sem_alloc : memref<!tpu.dma_semaphore, #tpu.memory_space<semaphore_mem>>
        %dma_start3A_77 = arith.constant 0 : i32
        %dma_start3A_78 = tpu.memref_slice %arg6[%add3A, %scan3A_49, %dma_start3A_77] : memref<32x125x80xi32, #tpu.memory_space<hbm>> -> memref<1x1x80xi32, #tpu.memory_space<hbm>>
        %dma_start3A_79 = tpu.memref_squeeze %dma_start3A_78 : memref<1x1x80xi32, #tpu.memory_space<hbm>> -> memref<80xi32, #tpu.memory_space<hbm>>
        %dma_start3A_80 = arith.constant 0 : i32
        %dma_start3A_81 = tpu.memref_slice %arg6[%add3A, %scan3A_49, %dma_start3A_80] : memref<32x125x80xi32, #tpu.memory_space<hbm>> -> memref<1x1x80xi32, #tpu.memory_space<hbm>>
        %dma_start3A_82 = tpu.memref_squeeze %dma_start3A_81 : memref<1x1x80xi32, #tpu.memory_space<hbm>> -> memref<80xi32, #tpu.memory_space<hbm>>
        tpu.enqueue_dma source(%dma_start3A_82 : memref<80xi32, #tpu.memory_space<hbm>>) target(%arg9 : memref<80xi32, #tpu.memory_space<vmem>>) target_semaphore(%run_scoped3A : memref<!tpu.dma_semaphore, #tpu.memory_space<semaphore_mem>>)
        %dma_wait3A_83 = arith.constant 0 : i32
        %dma_wait3A_84 = tpu.memref_slice %arg6[%add3A, %scan3A_49, %dma_wait3A_83] : memref<32x125x80xi32, #tpu.memory_space<hbm>> -> memref<1x1x80xi32, #tpu.memory_space<hbm>>
        %dma_wait3A_85 = tpu.memref_squeeze %dma_wait3A_84 : memref<1x1x80xi32, #tpu.memory_space<hbm>> -> memref<80xi32, #tpu.memory_space<hbm>>
        %dma_wait3A_86 = arith.constant 0 : i32
        %dma_wait3A_87 = tpu.memref_slice %arg6[%add3A, %scan3A_49, %dma_wait3A_86] : memref<32x125x80xi32, #tpu.memory_space<hbm>> -> memref<1x1x80xi32, #tpu.memory_space<hbm>>
        %dma_wait3A_88 = tpu.memref_squeeze %dma_wait3A_87 : memref<1x1x80xi32, #tpu.memory_space<hbm>> -> memref<80xi32, #tpu.memory_space<hbm>>
        tpu.wait_dma2 semaphore(%run_scoped3A : memref<!tpu.dma_semaphore, #tpu.memory_space<semaphore_mem>>) src(%dma_wait3A_88 : memref<80xi32, #tpu.memory_space<hbm>>) dst(%arg9 : memref<80xi32, #tpu.memory_space<vmem>>)
        tpu.yield
      }) : () -> ()
      %dma_start3A = arith.constant 0 : i32
      %dma_start3A_50 = arith.constant 0 : i32
      %dma_start3A_51 = tpu.memref_slice %arg2[%dma_start3A, %dma_start3A_50] : memref<10000x128xf32, #tpu.memory_space<hbm>> -> memref<10000x128xf32, #tpu.memory_space<hbm>>
      tpu.enqueue_indirect_dma source(%dma_start3A_51 : memref<10000x128xf32, #tpu.memory_space<hbm>>) target(%arg10 : memref<80x128xf32, #tpu.memory_space<vmem>>) offsets(%arg8 : memref<80xi32, #tpu.memory_space<vmem>>) semaphore(%arg13 : memref<!tpu.dma_semaphore, #tpu.memory_space<semaphore_mem>>)
      %dma_start3A_52 = arith.constant 0 : i32
      %dma_start3A_53 = arith.constant 0 : i32
      %dma_start3A_54 = tpu.memref_slice %arg3[%dma_start3A_52, %dma_start3A_53] : memref<10000x128xf32, #tpu.memory_space<hbm>> -> memref<10000x128xf32, #tpu.memory_space<hbm>>
      tpu.enqueue_indirect_dma source(%dma_start3A_54 : memref<10000x128xf32, #tpu.memory_space<hbm>>) target(%arg11 : memref<80x128xf32, #tpu.memory_space<vmem>>) offsets(%arg9 : memref<80xi32, #tpu.memory_space<vmem>>) semaphore(%arg13 : memref<!tpu.dma_semaphore, #tpu.memory_space<semaphore_mem>>)
      %mul3A_55 = arith.constant 80 : i32
      %mul3A_56 = arith.muli %scan3A_49, %mul3A_55 : i32
      %add3A_57 = arith.addi %mul3A_25, %mul3A_56 : i32
      %dma_start3A_58 = arith.constant 0 : i32
      %dma_start3A_59 = tpu.memref_slice %arg4[%add3A_57, %dma_start3A_58] : memref<320000x128xf32, #tpu.memory_space<hbm>> -> memref<80x128xf32, #tpu.memory_space<hbm>>
      %dma_start3A_60 = arith.constant 0 : i32
      %dma_start3A_61 = tpu.memref_slice %arg4[%add3A_57, %dma_start3A_60] : memref<320000x128xf32, #tpu.memory_space<hbm>> -> memref<80x128xf32, #tpu.memory_space<hbm>>
      tpu.enqueue_dma source(%dma_start3A_61 : memref<80x128xf32, #tpu.memory_space<hbm>>) target(%arg12 : memref<80x128xf32, #tpu.memory_space<vmem>>) target_semaphore(%arg13 : memref<!tpu.dma_semaphore, #tpu.memory_space<semaphore_mem>>)
      %dma_wait3A = arith.constant 0 : i32
      %dma_wait3A_62 = arith.constant 0 : i32
      %dma_wait3A_63 = tpu.memref_slice %arg2[%dma_wait3A, %dma_wait3A_62] : memref<10000x128xf32, #tpu.memory_space<hbm>> -> memref<10000x128xf32, #tpu.memory_space<hbm>>
      tpu.wait_indirect_dma semaphore(%arg13 : memref<!tpu.dma_semaphore, #tpu.memory_space<semaphore_mem>>) src(%dma_wait3A_63 : memref<10000x128xf32, #tpu.memory_space<hbm>>) dst(%arg10 : memref<80x128xf32, #tpu.memory_space<vmem>>)
      %dma_wait3A_64 = arith.constant 0 : i32
      %dma_wait3A_65 = arith.constant 0 : i32
      %dma_wait3A_66 = tpu.memref_slice %arg3[%dma_wait3A_64, %dma_wait3A_65] : memref<10000x128xf32, #tpu.memory_space<hbm>> -> memref<10000x128xf32, #tpu.memory_space<hbm>>
      tpu.wait_indirect_dma semaphore(%arg13 : memref<!tpu.dma_semaphore, #tpu.memory_space<semaphore_mem>>) src(%dma_wait3A_66 : memref<10000x128xf32, #tpu.memory_space<hbm>>) dst(%arg11 : memref<80x128xf32, #tpu.memory_space<vmem>>)
      %dma_wait3A_67 = arith.constant 0 : i32
      %dma_wait3A_68 = tpu.memref_slice %arg4[%add3A_57, %dma_wait3A_67] : memref<320000x128xf32, #tpu.memory_space<hbm>> -> memref<80x128xf32, #tpu.memory_space<hbm>>
      %dma_wait3A_69 = arith.constant 0 : i32
      %dma_wait3A_70 = tpu.memref_slice %arg4[%add3A_57, %dma_wait3A_69] : memref<320000x128xf32, #tpu.memory_space<hbm>> -> memref<80x128xf32, #tpu.memory_space<hbm>>
      tpu.wait_dma2 semaphore(%arg13 : memref<!tpu.dma_semaphore, #tpu.memory_space<semaphore_mem>>) src(%dma_wait3A_70 : memref<80x128xf32, #tpu.memory_space<hbm>>) dst(%arg12 : memref<80x128xf32, #tpu.memory_space<vmem>>)
      %scan3A_71 = arith.constant 0 : i32
      %scan3A_72 = arith.constant 0 : i32
      %scan3A_73 = arith.constant 80 : i32
      %scan3A_74 = arith.addi %scan3A_72, %scan3A_73 : i32
      %scan3A_75 = arith.constant 1 : i32
      scf.for %scan3A_77 = %scan3A_72 to %scan3A_74 step %scan3A_75  : i32 {
        %get3A = arith.index_cast %scan3A_77 : i32 to index
        %get3A_78 = arith.constant 0 : index
        %get3A_79 = tpu.vector_load %arg10[%get3A, %get3A_78] {strides = array<i32>} : memref<80x128xf32, #tpu.memory_space<vmem>>, vector<1x16xf32>,
        %get3A_80 = vector.shape_cast %get3A_79 : vector<1x16xf32> to vector<16xf32>
        %get3A_81 = arith.index_cast %scan3A_77 : i32 to index
        %get3A_82 = arith.constant 0 : index
        %get3A_83 = tpu.vector_load %arg11[%get3A_81, %get3A_82] {strides = array<i32>} : memref<80x128xf32, #tpu.memory_space<vmem>>, vector<1x16xf32>,
        %get3A_84 = vector.shape_cast %get3A_83 : vector<1x16xf32> to vector<16xf32>
        %add3A_85 = arith.addf %get3A_80, %get3A_84 : vector<16xf32>
        %get3A_86 = arith.index_cast %scan3A_77 : i32 to index
        %get3A_87 = arith.constant 0 : index
        %get3A_88 = tpu.vector_load %arg12[%get3A_86, %get3A_87] {strides = array<i32>} : memref<80x128xf32, #tpu.memory_space<vmem>>, vector<1x16xf32>,
        %get3A_89 = vector.shape_cast %get3A_88 : vector<1x16xf32> to vector<16xf32>
        %add3A_90 = arith.addf %add3A_85, %get3A_89 : vector<16xf32>
        %max3A = arith.constant 0.000000e+00 : f32
        %max3A_91 = vector.broadcast %max3A : f32 to vector<16xf32>
        %max3A_92 = arith.maximumf %add3A_90, %max3A_91 : vector<16xf32>
        %swap3A = arith.index_cast %scan3A_77 : i32 to index
        %swap3A_93 = arith.constant 0 : index
        %swap3A_94 = tpu.vector_load %arg10[%swap3A, %swap3A_93] {strides = array<i32>} : memref<80x128xf32, #tpu.memory_space<vmem>>, vector<1x16xf32>,
        %swap3A_95 = vector.shape_cast %swap3A_94 : vector<1x16xf32> to vector<16xf32>
        %swap3A_96 = vector.shape_cast %max3A_92 : vector<16xf32> to vector<1x16xf32>
        tpu.vector_store %arg10[%swap3A, %swap3A_93], %swap3A_96 {strides = array<i32>} : memref<80x128xf32, #tpu.memory_space<vmem>>, vector<1x16xf32>,
        %get3A_97 = arith.index_cast %scan3A_77 : i32 to index
        %get3A_98 = arith.constant 16 : index
        %get3A_99 = tpu.vector_load %arg10[%get3A_97, %get3A_98] {strides = array<i32>} : memref<80x128xf32, #tpu.memory_space<vmem>>, vector<1x16xf32>,
        %get3A_100 = vector.shape_cast %get3A_99 : vector<1x16xf32> to vector<16xf32>
        %get3A_101 = arith.index_cast %scan3A_77 : i32 to index
        %get3A_102 = arith.constant 16 : index
        %get3A_103 = tpu.vector_load %arg11[%get3A_101, %get3A_102] {strides = array<i32>} : memref<80x128xf32, #tpu.memory_space<vmem>>, vector<1x16xf32>,
        %get3A_104 = vector.shape_cast %get3A_103 : vector<1x16xf32> to vector<16xf32>
        %add3A_105 = arith.addf %get3A_100, %get3A_104 : vector<16xf32>
        %get3A_106 = arith.index_cast %scan3A_77 : i32 to index
        %get3A_107 = arith.constant 16 : index
        %get3A_108 = tpu.vector_load %arg12[%get3A_106, %get3A_107] {strides = array<i32>} : memref<80x128xf32, #tpu.memory_space<vmem>>, vector<1x16xf32>,
        %get3A_109 = vector.shape_cast %get3A_108 : vector<1x16xf32> to vector<16xf32>
        %add3A_110 = arith.addf %add3A_105, %get3A_109 : vector<16xf32>
        %max3A_111 = arith.constant 0.000000e+00 : f32
        %max3A_112 = vector.broadcast %max3A_111 : f32 to vector<16xf32>
        %max3A_113 = arith.maximumf %add3A_110, %max3A_112 : vector<16xf32>
        %swap3A_114 = arith.index_cast %scan3A_77 : i32 to index
        %swap3A_115 = arith.constant 16 : index
        %swap3A_116 = tpu.vector_load %arg10[%swap3A_114, %swap3A_115] {strides = array<i32>} : memref<80x128xf32, #tpu.memory_space<vmem>>, vector<1x16xf32>,
        %swap3A_117 = vector.shape_cast %swap3A_116 : vector<1x16xf32> to vector<16xf32>
        %swap3A_118 = vector.shape_cast %max3A_113 : vector<16xf32> to vector<1x16xf32>
        tpu.vector_store %arg10[%swap3A_114, %swap3A_115], %swap3A_118 {strides = array<i32>} : memref<80x128xf32, #tpu.memory_space<vmem>>, vector<1x16xf32>,
        %get3A_119 = arith.index_cast %scan3A_77 : i32 to index
        %get3A_120 = arith.constant 32 : index
        %get3A_121 = tpu.vector_load %arg10[%get3A_119, %get3A_120] {strides = array<i32>} : memref<80x128xf32, #tpu.memory_space<vmem>>, vector<1x16xf32>,
        %get3A_122 = vector.shape_cast %get3A_121 : vector<1x16xf32> to vector<16xf32>
        %get3A_123 = arith.index_cast %scan3A_77 : i32 to index
        %get3A_124 = arith.constant 32 : index
        %get3A_125 = tpu.vector_load %arg11[%get3A_123, %get3A_124] {strides = array<i32>} : memref<80x128xf32, #tpu.memory_space<vmem>>, vector<1x16xf32>,
        %get3A_126 = vector.shape_cast %get3A_125 : vector<1x16xf32> to vector<16xf32>
        %add3A_127 = arith.addf %get3A_122, %get3A_126 : vector<16xf32>
        %get3A_128 = arith.index_cast %scan3A_77 : i32 to index
        %get3A_129 = arith.constant 32 : index
        %get3A_130 = tpu.vector_load %arg12[%get3A_128, %get3A_129] {strides = array<i32>} : memref<80x128xf32, #tpu.memory_space<vmem>>, vector<1x16xf32>,
        %get3A_131 = vector.shape_cast %get3A_130 : vector<1x16xf32> to vector<16xf32>
        %add3A_132 = arith.addf %add3A_127, %get3A_131 : vector<16xf32>
        %max3A_133 = arith.constant 0.000000e+00 : f32
        %max3A_134 = vector.broadcast %max3A_133 : f32 to vector<16xf32>
        %max3A_135 = arith.maximumf %add3A_132, %max3A_134 : vector<16xf32>
        %swap3A_136 = arith.index_cast %scan3A_77 : i32 to index
        %swap3A_137 = arith.constant 32 : index
        %swap3A_138 = tpu.vector_load %arg10[%swap3A_136, %swap3A_137] {strides = array<i32>} : memref<80x128xf32, #tpu.memory_space<vmem>>, vector<1x16xf32>,
        %swap3A_139 = vector.shape_cast %swap3A_138 : vector<1x16xf32> to vector<16xf32>
        %swap3A_140 = vector.shape_cast %max3A_135 : vector<16xf32> to vector<1x16xf32>
        tpu.vector_store %arg10[%swap3A_136, %swap3A_137], %swap3A_140 {strides = array<i32>} : memref<80x128xf32, #tpu.memory_space<vmem>>, vector<1x16xf32>,
        %get3A_141 = arith.index_cast %scan3A_77 : i32 to index
        %get3A_142 = arith.constant 48 : index
        %get3A_143 = tpu.vector_load %arg10[%get3A_141, %get3A_142] {strides = array<i32>} : memref<80x128xf32, #tpu.memory_space<vmem>>, vector<1x16xf32>,
        %get3A_144 = vector.shape_cast %get3A_143 : vector<1x16xf32> to vector<16xf32>
        %get3A_145 = arith.index_cast %scan3A_77 : i32 to index
        %get3A_146 = arith.constant 48 : index
        %get3A_147 = tpu.vector_load %arg11[%get3A_145, %get3A_146] {strides = array<i32>} : memref<80x128xf32, #tpu.memory_space<vmem>>, vector<1x16xf32>,
        %get3A_148 = vector.shape_cast %get3A_147 : vector<1x16xf32> to vector<16xf32>
        %add3A_149 = arith.addf %get3A_144, %get3A_148 : vector<16xf32>
        %get3A_150 = arith.index_cast %scan3A_77 : i32 to index
        %get3A_151 = arith.constant 48 : index
        %get3A_152 = tpu.vector_load %arg12[%get3A_150, %get3A_151] {strides = array<i32>} : memref<80x128xf32, #tpu.memory_space<vmem>>, vector<1x16xf32>,
        %get3A_153 = vector.shape_cast %get3A_152 : vector<1x16xf32> to vector<16xf32>
        %add3A_154 = arith.addf %add3A_149, %get3A_153 : vector<16xf32>
        %max3A_155 = arith.constant 0.000000e+00 : f32
        %max3A_156 = vector.broadcast %max3A_155 : f32 to vector<16xf32>
        %max3A_157 = arith.maximumf %add3A_154, %max3A_156 : vector<16xf32>
        %swap3A_158 = arith.index_cast %scan3A_77 : i32 to index
        %swap3A_159 = arith.constant 48 : index
        %swap3A_160 = tpu.vector_load %arg10[%swap3A_158, %swap3A_159] {strides = array<i32>} : memref<80x128xf32, #tpu.memory_space<vmem>>, vector<1x16xf32>,
        %swap3A_161 = vector.shape_cast %swap3A_160 : vector<1x16xf32> to vector<16xf32>
        %swap3A_162 = vector.shape_cast %max3A_157 : vector<16xf32> to vector<1x16xf32>
        tpu.vector_store %arg10[%swap3A_158, %swap3A_159], %swap3A_162 {strides = array<i32>} : memref<80x128xf32, #tpu.memory_space<vmem>>, vector<1x16xf32>,
        %get3A_163 = arith.index_cast %scan3A_77 : i32 to index
        %get3A_164 = arith.constant 64 : index
        %get3A_165 = tpu.vector_load %arg10[%get3A_163, %get3A_164] {strides = array<i32>} : memref<80x128xf32, #tpu.memory_space<vmem>>, vector<1x16xf32>,
        %get3A_166 = vector.shape_cast %get3A_165 : vector<1x16xf32> to vector<16xf32>
        %get3A_167 = arith.index_cast %scan3A_77 : i32 to index
        %get3A_168 = arith.constant 64 : index
        %get3A_169 = tpu.vector_load %arg11[%get3A_167, %get3A_168] {strides = array<i32>} : memref<80x128xf32, #tpu.memory_space<vmem>>, vector<1x16xf32>,
        %get3A_170 = vector.shape_cast %get3A_169 : vector<1x16xf32> to vector<16xf32>
        %add3A_171 = arith.addf %get3A_166, %get3A_170 : vector<16xf32>
        %get3A_172 = arith.index_cast %scan3A_77 : i32 to index
        %get3A_173 = arith.constant 64 : index
        %get3A_174 = tpu.vector_load %arg12[%get3A_172, %get3A_173] {strides = array<i32>} : memref<80x128xf32, #tpu.memory_space<vmem>>, vector<1x16xf32>,
        %get3A_175 = vector.shape_cast %get3A_174 : vector<1x16xf32> to vector<16xf32>
        %add3A_176 = arith.addf %add3A_171, %get3A_175 : vector<16xf32>
        %max3A_177 = arith.constant 0.000000e+00 : f32
        %max3A_178 = vector.broadcast %max3A_177 : f32 to vector<16xf32>
        %max3A_179 = arith.maximumf %add3A_176, %max3A_178 : vector<16xf32>
        %swap3A_180 = arith.index_cast %scan3A_77 : i32 to index
        %swap3A_181 = arith.constant 64 : index
        %swap3A_182 = tpu.vector_load %arg10[%swap3A_180, %swap3A_181] {strides = array<i32>} : memref<80x128xf32, #tpu.memory_space<vmem>>, vector<1x16xf32>,
        %swap3A_183 = vector.shape_cast %swap3A_182 : vector<1x16xf32> to vector<16xf32>
        %swap3A_184 = vector.shape_cast %max3A_179 : vector<16xf32> to vector<1x16xf32>
        tpu.vector_store %arg10[%swap3A_180, %swap3A_181], %swap3A_184 {strides = array<i32>} : memref<80x128xf32, #tpu.memory_space<vmem>>, vector<1x16xf32>,
        %get3A_185 = arith.index_cast %scan3A_77 : i32 to index
        %get3A_186 = arith.constant 80 : index
        %get3A_187 = tpu.vector_load %arg10[%get3A_185, %get3A_186] {strides = array<i32>} : memref<80x128xf32, #tpu.memory_space<vmem>>, vector<1x16xf32>,
        %get3A_188 = vector.shape_cast %get3A_187 : vector<1x16xf32> to vector<16xf32>
        %get3A_189 = arith.index_cast %scan3A_77 : i32 to index
        %get3A_190 = arith.constant 80 : index
        %get3A_191 = tpu.vector_load %arg11[%get3A_189, %get3A_190] {strides = array<i32>} : memref<80x128xf32, #tpu.memory_space<vmem>>, vector<1x16xf32>,
        %get3A_192 = vector.shape_cast %get3A_191 : vector<1x16xf32> to vector<16xf32>
        %add3A_193 = arith.addf %get3A_188, %get3A_192 : vector<16xf32>
        %get3A_194 = arith.index_cast %scan3A_77 : i32 to index
        %get3A_195 = arith.constant 80 : index
        %get3A_196 = tpu.vector_load %arg12[%get3A_194, %get3A_195] {strides = array<i32>} : memref<80x128xf32, #tpu.memory_space<vmem>>, vector<1x16xf32>,
        %get3A_197 = vector.shape_cast %get3A_196 : vector<1x16xf32> to vector<16xf32>
        %add3A_198 = arith.addf %add3A_193, %get3A_197 : vector<16xf32>
        %max3A_199 = arith.constant 0.000000e+00 : f32
        %max3A_200 = vector.broadcast %max3A_199 : f32 to vector<16xf32>
        %max3A_201 = arith.maximumf %add3A_198, %max3A_200 : vector<16xf32>
        %swap3A_202 = arith.index_cast %scan3A_77 : i32 to index
        %swap3A_203 = arith.constant 80 : index
        %swap3A_204 = tpu.vector_load %arg10[%swap3A_202, %swap3A_203] {strides = array<i32>} : memref<80x128xf32, #tpu.memory_space<vmem>>, vector<1x16xf32>,
        %swap3A_205 = vector.shape_cast %swap3A_204 : vector<1x16xf32> to vector<16xf32>
        %swap3A_206 = vector.shape_cast %max3A_201 : vector<16xf32> to vector<1x16xf32>
        tpu.vector_store %arg10[%swap3A_202, %swap3A_203], %swap3A_206 {strides = array<i32>} : memref<80x128xf32, #tpu.memory_space<vmem>>, vector<1x16xf32>,
        %get3A_207 = arith.index_cast %scan3A_77 : i32 to index
        %get3A_208 = arith.constant 96 : index
        %get3A_209 = tpu.vector_load %arg10[%get3A_207, %get3A_208] {strides = array<i32>} : memref<80x128xf32, #tpu.memory_space<vmem>>, vector<1x16xf32>,
        %get3A_210 = vector.shape_cast %get3A_209 : vector<1x16xf32> to vector<16xf32>
        %get3A_211 = arith.index_cast %scan3A_77 : i32 to index
        %get3A_212 = arith.constant 96 : index
        %get3A_213 = tpu.vector_load %arg11[%get3A_211, %get3A_212] {strides = array<i32>} : memref<80x128xf32, #tpu.memory_space<vmem>>, vector<1x16xf32>,
        %get3A_214 = vector.shape_cast %get3A_213 : vector<1x16xf32> to vector<16xf32>
        %add3A_215 = arith.addf %get3A_210, %get3A_214 : vector<16xf32>
        %get3A_216 = arith.index_cast %scan3A_77 : i32 to index
        %get3A_217 = arith.constant 96 : index
        %get3A_218 = tpu.vector_load %arg12[%get3A_216, %get3A_217] {strides = array<i32>} : memref<80x128xf32, #tpu.memory_space<vmem>>, vector<1x16xf32>,
        %get3A_219 = vector.shape_cast %get3A_218 : vector<1x16xf32> to vector<16xf32>
        %add3A_220 = arith.addf %add3A_215, %get3A_219 : vector<16xf32>
        %max3A_221 = arith.constant 0.000000e+00 : f32
        %max3A_222 = vector.broadcast %max3A_221 : f32 to vector<16xf32>
        %max3A_223 = arith.maximumf %add3A_220, %max3A_222 : vector<16xf32>
        %swap3A_224 = arith.index_cast %scan3A_77 : i32 to index
        %swap3A_225 = arith.constant 96 : index
        %swap3A_226 = tpu.vector_load %arg10[%swap3A_224, %swap3A_225] {strides = array<i32>} : memref<80x128xf32, #tpu.memory_space<vmem>>, vector<1x16xf32>,
        %swap3A_227 = vector.shape_cast %swap3A_226 : vector<1x16xf32> to vector<16xf32>
        %swap3A_228 = vector.shape_cast %max3A_223 : vector<16xf32> to vector<1x16xf32>
        tpu.vector_store %arg10[%swap3A_224, %swap3A_225], %swap3A_228 {strides = array<i32>} : memref<80x128xf32, #tpu.memory_space<vmem>>, vector<1x16xf32>,
        %get3A_229 = arith.index_cast %scan3A_77 : i32 to index
        %get3A_230 = arith.constant 112 : index
        %get3A_231 = tpu.vector_load %arg10[%get3A_229, %get3A_230] {strides = array<i32>} : memref<80x128xf32, #tpu.memory_space<vmem>>, vector<1x16xf32>,
        %get3A_232 = vector.shape_cast %get3A_231 : vector<1x16xf32> to vector<16xf32>
        %get3A_233 = arith.index_cast %scan3A_77 : i32 to index
        %get3A_234 = arith.constant 112 : index
        %get3A_235 = tpu.vector_load %arg11[%get3A_233, %get3A_234] {strides = array<i32>} : memref<80x128xf32, #tpu.memory_space<vmem>>, vector<1x16xf32>,
        %get3A_236 = vector.shape_cast %get3A_235 : vector<1x16xf32> to vector<16xf32>
        %add3A_237 = arith.addf %get3A_232, %get3A_236 : vector<16xf32>
        %get3A_238 = arith.index_cast %scan3A_77 : i32 to index
        %get3A_239 = arith.constant 112 : index
        %get3A_240 = tpu.vector_load %arg12[%get3A_238, %get3A_239] {strides = array<i32>} : memref<80x128xf32, #tpu.memory_space<vmem>>, vector<1x16xf32>,
        %get3A_241 = vector.shape_cast %get3A_240 : vector<1x16xf32> to vector<16xf32>
        %add3A_242 = arith.addf %add3A_237, %get3A_241 : vector<16xf32>
        %max3A_243 = arith.constant 0.000000e+00 : f32
        %max3A_244 = vector.broadcast %max3A_243 : f32 to vector<16xf32>
        %max3A_245 = arith.maximumf %add3A_242, %max3A_244 : vector<16xf32>
        %swap3A_246 = arith.index_cast %scan3A_77 : i32 to index
        %swap3A_247 = arith.constant 112 : index
        %swap3A_248 = tpu.vector_load %arg10[%swap3A_246, %swap3A_247] {strides = array<i32>} : memref<80x128xf32, #tpu.memory_space<vmem>>, vector<1x16xf32>,
        %swap3A_249 = vector.shape_cast %swap3A_248 : vector<1x16xf32> to vector<16xf32>
        %swap3A_250 = vector.shape_cast %max3A_245 : vector<16xf32> to vector<1x16xf32>
        tpu.vector_store %arg10[%swap3A_246, %swap3A_247], %swap3A_250 {strides = array<i32>} : memref<80x128xf32, #tpu.memory_space<vmem>>, vector<1x16xf32>,
      }
      %scan3A_76 = arith.constant 80 : i32
      "tpu.region"() ({
        %run_scoped3A = tpu.sem_alloc : memref<!tpu.dma_semaphore, #tpu.memory_space<semaphore_mem>>
        %dma_start3A_77 = arith.constant 0 : i32
        %dma_start3A_78 = arith.constant 0 : i32
        %dma_start3A_79 = tpu.memref_slice %arg14[%dma_start3A_77, %dma_start3A_78] : memref<10240x128xf32, #tpu.memory_space<vmem_shared>> -> memref<10240x128xf32, #tpu.memory_space<vmem_shared>>
        tpu.enqueue_indirect_dma source(%arg10 : memref<80x128xf32, #tpu.memory_space<vmem>>) target(%dma_start3A_79 : memref<10240x128xf32, #tpu.memory_space<vmem_shared>>) offsets(%arg9 : memref<80xi32, #tpu.memory_space<vmem>>) semaphore(%run_scoped3A : memref<!tpu.dma_semaphore, #tpu.memory_space<semaphore_mem>>) {add = true}
        %dma_wait3A_80 = arith.constant 0 : i32
        %dma_wait3A_81 = arith.constant 0 : i32
        %dma_wait3A_82 = tpu.memref_slice %arg14[%dma_wait3A_80, %dma_wait3A_81] : memref<10240x128xf32, #tpu.memory_space<vmem_shared>> -> memref<10240x128xf32, #tpu.memory_space<vmem_shared>>
        tpu.wait_indirect_dma semaphore(%run_scoped3A : memref<!tpu.dma_semaphore, #tpu.memory_space<semaphore_mem>>) src(%arg10 : memref<80x128xf32, #tpu.memory_space<vmem>>) dst(%dma_wait3A_82 : memref<10240x128xf32, #tpu.memory_space<vmem_shared>>)
        tpu.yield
      }) : () -> ()
    }
    %scan3A_31 = arith.constant 125 : i32
    %barrier3A_32 = arith.constant 0 : index
    tpu.barrier barrier_id(%barrier3A_32)
    %add3A_33 = arith.constant 0 : i32
    %add3A_34 = arith.addi %mul3A_2, %add3A_33 : i32
    "tpu.region"() ({
      %run_scoped3A = tpu.sem_alloc : memref<!tpu.dma_semaphore, #tpu.memory_space<semaphore_mem>>
      %dma_start3A = arith.constant 0 : i32
      %dma_start3A_49 = tpu.memref_slice %arg14[%add3A_34, %dma_start3A] : memref<10240x128xf32, #tpu.memory_space<vmem_shared>> -> memref<80x128xf32, #tpu.memory_space<vmem_shared>>
      %dma_start3A_50 = arith.constant 0 : i32
      %dma_start3A_51 = tpu.memref_slice %arg14[%add3A_34, %dma_start3A_50] : memref<10240x128xf32, #tpu.memory_space<vmem_shared>> -> memref<80x128xf32, #tpu.memory_space<vmem_shared>>
      tpu.enqueue_dma source(%dma_start3A_51 : memref<80x128xf32, #tpu.memory_space<vmem_shared>>) target(%arg10 : memref<80x128xf32, #tpu.memory_space<vmem>>) target_semaphore(%run_scoped3A : memref<!tpu.dma_semaphore, #tpu.memory_space<semaphore_mem>>)
      %dma_wait3A = arith.constant 0 : i32
      %dma_wait3A_52 = tpu.memref_slice %arg14[%add3A_34, %dma_wait3A] : memref<10240x128xf32, #tpu.memory_space<vmem_shared>> -> memref<80x128xf32, #tpu.memory_space<vmem_shared>>
      %dma_wait3A_53 = arith.constant 0 : i32
      %dma_wait3A_54 = tpu.memref_slice %arg14[%add3A_34, %dma_wait3A_53] : memref<10240x128xf32, #tpu.memory_space<vmem_shared>> -> memref<80x128xf32, #tpu.memory_space<vmem_shared>>
      tpu.wait_dma2 semaphore(%run_scoped3A : memref<!tpu.dma_semaphore, #tpu.memory_space<semaphore_mem>>) src(%dma_wait3A_54 : memref<80x128xf32, #tpu.memory_space<vmem_shared>>) dst(%arg10 : memref<80x128xf32, #tpu.memory_space<vmem>>)
      tpu.yield
    }) : () -> ()
    "tpu.region"() ({
      %run_scoped3A = tpu.sem_alloc : memref<!tpu.dma_semaphore, #tpu.memory_space<semaphore_mem>>
      %dma_start3A = arith.constant 0 : i32
      %dma_start3A_49 = tpu.memref_slice %arg7[%arg0, %add3A_34, %dma_start3A] : memref<2x10240x128xf32, #tpu.memory_space<hbm>> -> memref<1x80x128xf32, #tpu.memory_space<hbm>>
      %dma_start3A_50 = tpu.memref_squeeze %dma_start3A_49 : memref<1x80x128xf32, #tpu.memory_space<hbm>> -> memref<80x128xf32, #tpu.memory_space<hbm>>
      %dma_start3A_51 = arith.constant 0 : i32
      %dma_start3A_52 = tpu.memref_slice %arg7[%arg0, %add3A_34, %dma_start3A_51] : memref<2x10240x128xf32, #tpu.memory_space<hbm>> -> memref<1x80x128xf32, #tpu.memory_space<hbm>>
      %dma_start3A_53 = tpu.memref_squeeze %dma_start3A_52 : memref<1x80x128xf32, #tpu.memory_space<hbm>> -> memref<80x128xf32, #tpu.memory_space<hbm>>
      tpu.enqueue_dma source(%arg10 : memref<80x128xf32, #tpu.memory_space<vmem>>) target(%dma_start3A_53 : memref<80x128xf32, #tpu.memory_space<hbm>>) target_semaphore(%run_scoped3A : memref<!tpu.dma_semaphore, #tpu.memory_space<semaphore_mem>>)
      %dma_wait3A = arith.constant 0 : i32
      %dma_wait3A_54 = tpu.memref_slice %arg7[%arg0, %add3A_34, %dma_wait3A] : memref<2x10240x128xf32, #tpu.memory_space<hbm>> -> memref<1x80x128xf32, #tpu.memory_space<hbm>>
      %dma_wait3A_55 = tpu.memref_squeeze %dma_wait3A_54 : memref<1x80x128xf32, #tpu.memory_space<hbm>> -> memref<80x128xf32, #tpu.memory_space<hbm>>
      %dma_wait3A_56 = arith.constant 0 : i32
      %dma_wait3A_57 = tpu.memref_slice %arg7[%arg0, %add3A_34, %dma_wait3A_56] : memref<2x10240x128xf32, #tpu.memory_space<hbm>> -> memref<1x80x128xf32, #tpu.memory_space<hbm>>
      %dma_wait3A_58 = tpu.memref_squeeze %dma_wait3A_57 : memref<1x80x128xf32, #tpu.memory_space<hbm>> -> memref<80x128xf32, #tpu.memory_space<hbm>>
      tpu.wait_dma2 semaphore(%run_scoped3A : memref<!tpu.dma_semaphore, #tpu.memory_space<semaphore_mem>>) src(%arg10 : memref<80x128xf32, #tpu.memory_space<vmem>>) dst(%dma_wait3A_58 : memref<80x128xf32, #tpu.memory_space<hbm>>)
      tpu.yield
    }) : () -> ()
    %add3A_35 = arith.constant 80 : i32
    %add3A_36 = arith.addi %mul3A_2, %add3A_35 : i32
    "tpu.region"() ({
      %run_scoped3A = tpu.sem_alloc : memref<!tpu.dma_semaphore, #tpu.memory_space<semaphore_mem>>
      %dma_start3A = arith.constant 0 : i32
      %dma_start3A_49 = tpu.memref_slice %arg14[%add3A_36, %dma_start3A] : memref<10240x128xf32, #tpu.memory_space<vmem_shared>> -> memref<80x128xf32, #tpu.memory_space<vmem_shared>>
      %dma_start3A_50 = arith.constant 0 : i32
      %dma_start3A_51 = tpu.memref_slice %arg14[%add3A_36, %dma_start3A_50] : memref<10240x128xf32, #tpu.memory_space<vmem_shared>> -> memref<80x128xf32, #tpu.memory_space<vmem_shared>>
      tpu.enqueue_dma source(%dma_start3A_51 : memref<80x128xf32, #tpu.memory_space<vmem_shared>>) target(%arg10 : memref<80x128xf32, #tpu.memory_space<vmem>>) target_semaphore(%run_scoped3A : memref<!tpu.dma_semaphore, #tpu.memory_space<semaphore_mem>>)
      %dma_wait3A = arith.constant 0 : i32
      %dma_wait3A_52 = tpu.memref_slice %arg14[%add3A_36, %dma_wait3A] : memref<10240x128xf32, #tpu.memory_space<vmem_shared>> -> memref<80x128xf32, #tpu.memory_space<vmem_shared>>
      %dma_wait3A_53 = arith.constant 0 : i32
      %dma_wait3A_54 = tpu.memref_slice %arg14[%add3A_36, %dma_wait3A_53] : memref<10240x128xf32, #tpu.memory_space<vmem_shared>> -> memref<80x128xf32, #tpu.memory_space<vmem_shared>>
      tpu.wait_dma2 semaphore(%run_scoped3A : memref<!tpu.dma_semaphore, #tpu.memory_space<semaphore_mem>>) src(%dma_wait3A_54 : memref<80x128xf32, #tpu.memory_space<vmem_shared>>) dst(%arg10 : memref<80x128xf32, #tpu.memory_space<vmem>>)
      tpu.yield
    }) : () -> ()
    "tpu.region"() ({
      %run_scoped3A = tpu.sem_alloc : memref<!tpu.dma_semaphore, #tpu.memory_space<semaphore_mem>>
      %dma_start3A = arith.constant 0 : i32
      %dma_start3A_49 = tpu.memref_slice %arg7[%arg0, %add3A_36, %dma_start3A] : memref<2x10240x128xf32, #tpu.memory_space<hbm>> -> memref<1x80x128xf32, #tpu.memory_space<hbm>>
      %dma_start3A_50 = tpu.memref_squeeze %dma_start3A_49 : memref<1x80x128xf32, #tpu.memory_space<hbm>> -> memref<80x128xf32, #tpu.memory_space<hbm>>
      %dma_start3A_51 = arith.constant 0 : i32
      %dma_start3A_52 = tpu.memref_slice %arg7[%arg0, %add3A_36, %dma_start3A_51] : memref<2x10240x128xf32, #tpu.memory_space<hbm>> -> memref<1x80x128xf32, #tpu.memory_space<hbm>>
      %dma_start3A_53 = tpu.memref_squeeze %dma_start3A_52 : memref<1x80x128xf32, #tpu.memory_space<hbm>> -> memref<80x128xf32, #tpu.memory_space<hbm>>
      tpu.enqueue_dma source(%arg10 : memref<80x128xf32, #tpu.memory_space<vmem>>) target(%dma_start3A_53 : memref<80x128xf32, #tpu.memory_space<hbm>>) target_semaphore(%run_scoped3A : memref<!tpu.dma_semaphore, #tpu.memory_space<semaphore_mem>>)
      %dma_wait3A = arith.constant 0 : i32
      %dma_wait3A_54 = tpu.memref_slice %arg7[%arg0, %add3A_36, %dma_wait3A] : memref<2x10240x128xf32, #tpu.memory_space<hbm>> -> memref<1x80x128xf32, #tpu.memory_space<hbm>>
      %dma_wait3A_55 = tpu.memref_squeeze %dma_wait3A_54 : memref<1x80x128xf32, #tpu.memory_space<hbm>> -> memref<80x128xf32, #tpu.memory_space<hbm>>
      %dma_wait3A_56 = arith.constant 0 : i32
      %dma_wait3A_57 = tpu.memref_slice %arg7[%arg0, %add3A_36, %dma_wait3A_56] : memref<2x10240x128xf32, #tpu.memory_space<hbm>> -> memref<1x80x128xf32, #tpu.memory_space<hbm>>
      %dma_wait3A_58 = tpu.memref_squeeze %dma_wait3A_57 : memref<1x80x128xf32, #tpu.memory_space<hbm>> -> memref<80x128xf32, #tpu.memory_space<hbm>>
      tpu.wait_dma2 semaphore(%run_scoped3A : memref<!tpu.dma_semaphore, #tpu.memory_space<semaphore_mem>>) src(%arg10 : memref<80x128xf32, #tpu.memory_space<vmem>>) dst(%dma_wait3A_58 : memref<80x128xf32, #tpu.memory_space<hbm>>)
      tpu.yield
    }) : () -> ()
    %add3A_37 = arith.constant 160 : i32
    %add3A_38 = arith.addi %mul3A_2, %add3A_37 : i32
    "tpu.region"() ({
      %run_scoped3A = tpu.sem_alloc : memref<!tpu.dma_semaphore, #tpu.memory_space<semaphore_mem>>
      %dma_start3A = arith.constant 0 : i32
      %dma_start3A_49 = tpu.memref_slice %arg14[%add3A_38, %dma_start3A] : memref<10240x128xf32, #tpu.memory_space<vmem_shared>> -> memref<80x128xf32, #tpu.memory_space<vmem_shared>>
      %dma_start3A_50 = arith.constant 0 : i32
      %dma_start3A_51 = tpu.memref_slice %arg14[%add3A_38, %dma_start3A_50] : memref<10240x128xf32, #tpu.memory_space<vmem_shared>> -> memref<80x128xf32, #tpu.memory_space<vmem_shared>>
      tpu.enqueue_dma source(%dma_start3A_51 : memref<80x128xf32, #tpu.memory_space<vmem_shared>>) target(%arg10 : memref<80x128xf32, #tpu.memory_space<vmem>>) target_semaphore(%run_scoped3A : memref<!tpu.dma_semaphore, #tpu.memory_space<semaphore_mem>>)
      %dma_wait3A = arith.constant 0 : i32
      %dma_wait3A_52 = tpu.memref_slice %arg14[%add3A_38, %dma_wait3A] : memref<10240x128xf32, #tpu.memory_space<vmem_shared>> -> memref<80x128xf32, #tpu.memory_space<vmem_shared>>
      %dma_wait3A_53 = arith.constant 0 : i32
      %dma_wait3A_54 = tpu.memref_slice %arg14[%add3A_38, %dma_wait3A_53] : memref<10240x128xf32, #tpu.memory_space<vmem_shared>> -> memref<80x128xf32, #tpu.memory_space<vmem_shared>>
      tpu.wait_dma2 semaphore(%run_scoped3A : memref<!tpu.dma_semaphore, #tpu.memory_space<semaphore_mem>>) src(%dma_wait3A_54 : memref<80x128xf32, #tpu.memory_space<vmem_shared>>) dst(%arg10 : memref<80x128xf32, #tpu.memory_space<vmem>>)
      tpu.yield
    }) : () -> ()
    "tpu.region"() ({
      %run_scoped3A = tpu.sem_alloc : memref<!tpu.dma_semaphore, #tpu.memory_space<semaphore_mem>>
      %dma_start3A = arith.constant 0 : i32
      %dma_start3A_49 = tpu.memref_slice %arg7[%arg0, %add3A_38, %dma_start3A] : memref<2x10240x128xf32, #tpu.memory_space<hbm>> -> memref<1x80x128xf32, #tpu.memory_space<hbm>>
      %dma_start3A_50 = tpu.memref_squeeze %dma_start3A_49 : memref<1x80x128xf32, #tpu.memory_space<hbm>> -> memref<80x128xf32, #tpu.memory_space<hbm>>
      %dma_start3A_51 = arith.constant 0 : i32
      %dma_start3A_52 = tpu.memref_slice %arg7[%arg0, %add3A_38, %dma_start3A_51] : memref<2x10240x128xf32, #tpu.memory_space<hbm>> -> memref<1x80x128xf32, #tpu.memory_space<hbm>>
      %dma_start3A_53 = tpu.memref_squeeze %dma_start3A_52 : memref<1x80x128xf32, #tpu.memory_space<hbm>> -> memref<80x128xf32, #tpu.memory_space<hbm>>
      tpu.enqueue_dma source(%arg10 : memref<80x128xf32, #tpu.memory_space<vmem>>) target(%dma_start3A_53 : memref<80x128xf32, #tpu.memory_space<hbm>>) target_semaphore(%run_scoped3A : memref<!tpu.dma_semaphore, #tpu.memory_space<semaphore_mem>>)
      %dma_wait3A = arith.constant 0 : i32
      %dma_wait3A_54 = tpu.memref_slice %arg7[%arg0, %add3A_38, %dma_wait3A] : memref<2x10240x128xf32, #tpu.memory_space<hbm>> -> memref<1x80x128xf32, #tpu.memory_space<hbm>>
      %dma_wait3A_55 = tpu.memref_squeeze %dma_wait3A_54 : memref<1x80x128xf32, #tpu.memory_space<hbm>> -> memref<80x128xf32, #tpu.memory_space<hbm>>
      %dma_wait3A_56 = arith.constant 0 : i32
      %dma_wait3A_57 = tpu.memref_slice %arg7[%arg0, %add3A_38, %dma_wait3A_56] : memref<2x10240x128xf32, #tpu.memory_space<hbm>> -> memref<1x80x128xf32, #tpu.memory_space<hbm>>
      %dma_wait3A_58 = tpu.memref_squeeze %dma_wait3A_57 : memref<1x80x128xf32, #tpu.memory_space<hbm>> -> memref<80x128xf32, #tpu.memory_space<hbm>>
      tpu.wait_dma2 semaphore(%run_scoped3A : memref<!tpu.dma_semaphore, #tpu.memory_space<semaphore_mem>>) src(%arg10 : memref<80x128xf32, #tpu.memory_space<vmem>>) dst(%dma_wait3A_58 : memref<80x128xf32, #tpu.memory_space<hbm>>)
      tpu.yield
    }) : () -> ()
    %add3A_39 = arith.constant 240 : i32
    %add3A_40 = arith.addi %mul3A_2, %add3A_39 : i32
    "tpu.region"() ({
      %run_scoped3A = tpu.sem_alloc : memref<!tpu.dma_semaphore, #tpu.memory_space<semaphore_mem>>
      %dma_start3A = arith.constant 0 : i32
      %dma_start3A_49 = tpu.memref_slice %arg14[%add3A_40, %dma_start3A] : memref<10240x128xf32, #tpu.memory_space<vmem_shared>> -> memref<80x128xf32, #tpu.memory_space<vmem_shared>>
      %dma_start3A_50 = arith.constant 0 : i32
      %dma_start3A_51 = tpu.memref_slice %arg14[%add3A_40, %dma_start3A_50] : memref<10240x128xf32, #tpu.memory_space<vmem_shared>> -> memref<80x128xf32, #tpu.memory_space<vmem_shared>>
      tpu.enqueue_dma source(%dma_start3A_51 : memref<80x128xf32, #tpu.memory_space<vmem_shared>>) target(%arg10 : memref<80x128xf32, #tpu.memory_space<vmem>>) target_semaphore(%run_scoped3A : memref<!tpu.dma_semaphore, #tpu.memory_space<semaphore_mem>>)
      %dma_wait3A = arith.constant 0 : i32
      %dma_wait3A_52 = tpu.memref_slice %arg14[%add3A_40, %dma_wait3A] : memref<10240x128xf32, #tpu.memory_space<vmem_shared>> -> memref<80x128xf32, #tpu.memory_space<vmem_shared>>
      %dma_wait3A_53 = arith.constant 0 : i32
      %dma_wait3A_54 = tpu.memref_slice %arg14[%add3A_40, %dma_wait3A_53] : memref<10240x128xf32, #tpu.memory_space<vmem_shared>> -> memref<80x128xf32, #tpu.memory_space<vmem_shared>>
      tpu.wait_dma2 semaphore(%run_scoped3A : memref<!tpu.dma_semaphore, #tpu.memory_space<semaphore_mem>>) src(%dma_wait3A_54 : memref<80x128xf32, #tpu.memory_space<vmem_shared>>) dst(%arg10 : memref<80x128xf32, #tpu.memory_space<vmem>>)
      tpu.yield
    }) : () -> ()
    "tpu.region"() ({
      %run_scoped3A = tpu.sem_alloc : memref<!tpu.dma_semaphore, #tpu.memory_space<semaphore_mem>>
      %dma_start3A = arith.constant 0 : i32
      %dma_start3A_49 = tpu.memref_slice %arg7[%arg0, %add3A_40, %dma_start3A] : memref<2x10240x128xf32, #tpu.memory_space<hbm>> -> memref<1x80x128xf32, #tpu.memory_space<hbm>>
      %dma_start3A_50 = tpu.memref_squeeze %dma_start3A_49 : memref<1x80x128xf32, #tpu.memory_space<hbm>> -> memref<80x128xf32, #tpu.memory_space<hbm>>
      %dma_start3A_51 = arith.constant 0 : i32
      %dma_start3A_52 = tpu.memref_slice %arg7[%arg0, %add3A_40, %dma_start3A_51] : memref<2x10240x128xf32, #tpu.memory_space<hbm>> -> memref<1x80x128xf32, #tpu.memory_space<hbm>>
      %dma_start3A_53 = tpu.memref_squeeze %dma_start3A_52 : memref<1x80x128xf32, #tpu.memory_space<hbm>> -> memref<80x128xf32, #tpu.memory_space<hbm>>
      tpu.enqueue_dma source(%arg10 : memref<80x128xf32, #tpu.memory_space<vmem>>) target(%dma_start3A_53 : memref<80x128xf32, #tpu.memory_space<hbm>>) target_semaphore(%run_scoped3A : memref<!tpu.dma_semaphore, #tpu.memory_space<semaphore_mem>>)
      %dma_wait3A = arith.constant 0 : i32
      %dma_wait3A_54 = tpu.memref_slice %arg7[%arg0, %add3A_40, %dma_wait3A] : memref<2x10240x128xf32, #tpu.memory_space<hbm>> -> memref<1x80x128xf32, #tpu.memory_space<hbm>>
      %dma_wait3A_55 = tpu.memref_squeeze %dma_wait3A_54 : memref<1x80x128xf32, #tpu.memory_space<hbm>> -> memref<80x128xf32, #tpu.memory_space<hbm>>
      %dma_wait3A_56 = arith.constant 0 : i32
      %dma_wait3A_57 = tpu.memref_slice %arg7[%arg0, %add3A_40, %dma_wait3A_56] : memref<2x10240x128xf32, #tpu.memory_space<hbm>> -> memref<1x80x128xf32, #tpu.memory_space<hbm>>
      %dma_wait3A_58 = tpu.memref_squeeze %dma_wait3A_57 : memref<1x80x128xf32, #tpu.memory_space<hbm>> -> memref<80x128xf32, #tpu.memory_space<hbm>>
      tpu.wait_dma2 semaphore(%run_scoped3A : memref<!tpu.dma_semaphore, #tpu.memory_space<semaphore_mem>>) src(%arg10 : memref<80x128xf32, #tpu.memory_space<vmem>>) dst(%dma_wait3A_58 : memref<80x128xf32, #tpu.memory_space<hbm>>)
      tpu.yield
    }) : () -> ()
    %add3A_41 = arith.constant 320 : i32
    %add3A_42 = arith.addi %mul3A_2, %add3A_41 : i32
    "tpu.region"() ({
      %run_scoped3A = tpu.sem_alloc : memref<!tpu.dma_semaphore, #tpu.memory_space<semaphore_mem>>
      %dma_start3A = arith.constant 0 : i32
      %dma_start3A_49 = tpu.memref_slice %arg14[%add3A_42, %dma_start3A] : memref<10240x128xf32, #tpu.memory_space<vmem_shared>> -> memref<80x128xf32, #tpu.memory_space<vmem_shared>>
      %dma_start3A_50 = arith.constant 0 : i32
      %dma_start3A_51 = tpu.memref_slice %arg14[%add3A_42, %dma_start3A_50] : memref<10240x128xf32, #tpu.memory_space<vmem_shared>> -> memref<80x128xf32, #tpu.memory_space<vmem_shared>>
      tpu.enqueue_dma source(%dma_start3A_51 : memref<80x128xf32, #tpu.memory_space<vmem_shared>>) target(%arg10 : memref<80x128xf32, #tpu.memory_space<vmem>>) target_semaphore(%run_scoped3A : memref<!tpu.dma_semaphore, #tpu.memory_space<semaphore_mem>>)
      %dma_wait3A = arith.constant 0 : i32
      %dma_wait3A_52 = tpu.memref_slice %arg14[%add3A_42, %dma_wait3A] : memref<10240x128xf32, #tpu.memory_space<vmem_shared>> -> memref<80x128xf32, #tpu.memory_space<vmem_shared>>
      %dma_wait3A_53 = arith.constant 0 : i32
      %dma_wait3A_54 = tpu.memref_slice %arg14[%add3A_42, %dma_wait3A_53] : memref<10240x128xf32, #tpu.memory_space<vmem_shared>> -> memref<80x128xf32, #tpu.memory_space<vmem_shared>>
      tpu.wait_dma2 semaphore(%run_scoped3A : memref<!tpu.dma_semaphore, #tpu.memory_space<semaphore_mem>>) src(%dma_wait3A_54 : memref<80x128xf32, #tpu.memory_space<vmem_shared>>) dst(%arg10 : memref<80x128xf32, #tpu.memory_space<vmem>>)
      tpu.yield
    }) : () -> ()
    "tpu.region"() ({
      %run_scoped3A = tpu.sem_alloc : memref<!tpu.dma_semaphore, #tpu.memory_space<semaphore_mem>>
      %dma_start3A = arith.constant 0 : i32
      %dma_start3A_49 = tpu.memref_slice %arg7[%arg0, %add3A_42, %dma_start3A] : memref<2x10240x128xf32, #tpu.memory_space<hbm>> -> memref<1x80x128xf32, #tpu.memory_space<hbm>>
      %dma_start3A_50 = tpu.memref_squeeze %dma_start3A_49 : memref<1x80x128xf32, #tpu.memory_space<hbm>> -> memref<80x128xf32, #tpu.memory_space<hbm>>
      %dma_start3A_51 = arith.constant 0 : i32
      %dma_start3A_52 = tpu.memref_slice %arg7[%arg0, %add3A_42, %dma_start3A_51] : memref<2x10240x128xf32, #tpu.memory_space<hbm>> -> memref<1x80x128xf32, #tpu.memory_space<hbm>>
      %dma_start3A_53 = tpu.memref_squeeze %dma_start3A_52 : memref<1x80x128xf32, #tpu.memory_space<hbm>> -> memref<80x128xf32, #tpu.memory_space<hbm>>
      tpu.enqueue_dma source(%arg10 : memref<80x128xf32, #tpu.memory_space<vmem>>) target(%dma_start3A_53 : memref<80x128xf32, #tpu.memory_space<hbm>>) target_semaphore(%run_scoped3A : memref<!tpu.dma_semaphore, #tpu.memory_space<semaphore_mem>>)
      %dma_wait3A = arith.constant 0 : i32
      %dma_wait3A_54 = tpu.memref_slice %arg7[%arg0, %add3A_42, %dma_wait3A] : memref<2x10240x128xf32, #tpu.memory_space<hbm>> -> memref<1x80x128xf32, #tpu.memory_space<hbm>>
      %dma_wait3A_55 = tpu.memref_squeeze %dma_wait3A_54 : memref<1x80x128xf32, #tpu.memory_space<hbm>> -> memref<80x128xf32, #tpu.memory_space<hbm>>
      %dma_wait3A_56 = arith.constant 0 : i32
      %dma_wait3A_57 = tpu.memref_slice %arg7[%arg0, %add3A_42, %dma_wait3A_56] : memref<2x10240x128xf32, #tpu.memory_space<hbm>> -> memref<1x80x128xf32, #tpu.memory_space<hbm>>
      %dma_wait3A_58 = tpu.memref_squeeze %dma_wait3A_57 : memref<1x80x128xf32, #tpu.memory_space<hbm>> -> memref<80x128xf32, #tpu.memory_space<hbm>>
      tpu.wait_dma2 semaphore(%run_scoped3A : memref<!tpu.dma_semaphore, #tpu.memory_space<semaphore_mem>>) src(%arg10 : memref<80x128xf32, #tpu.memory_space<vmem>>) dst(%dma_wait3A_58 : memref<80x128xf32, #tpu.memory_space<hbm>>)
      tpu.yield
    }) : () -> ()
    %add3A_43 = arith.constant 400 : i32
    %add3A_44 = arith.addi %mul3A_2, %add3A_43 : i32
    "tpu.region"() ({
      %run_scoped3A = tpu.sem_alloc : memref<!tpu.dma_semaphore, #tpu.memory_space<semaphore_mem>>
      %dma_start3A = arith.constant 0 : i32
      %dma_start3A_49 = tpu.memref_slice %arg14[%add3A_44, %dma_start3A] : memref<10240x128xf32, #tpu.memory_space<vmem_shared>> -> memref<80x128xf32, #tpu.memory_space<vmem_shared>>
      %dma_start3A_50 = arith.constant 0 : i32
      %dma_start3A_51 = tpu.memref_slice %arg14[%add3A_44, %dma_start3A_50] : memref<10240x128xf32, #tpu.memory_space<vmem_shared>> -> memref<80x128xf32, #tpu.memory_space<vmem_shared>>
      tpu.enqueue_dma source(%dma_start3A_51 : memref<80x128xf32, #tpu.memory_space<vmem_shared>>) target(%arg10 : memref<80x128xf32, #tpu.memory_space<vmem>>) target_semaphore(%run_scoped3A : memref<!tpu.dma_semaphore, #tpu.memory_space<semaphore_mem>>)
      %dma_wait3A = arith.constant 0 : i32
      %dma_wait3A_52 = tpu.memref_slice %arg14[%add3A_44, %dma_wait3A] : memref<10240x128xf32, #tpu.memory_space<vmem_shared>> -> memref<80x128xf32, #tpu.memory_space<vmem_shared>>
      %dma_wait3A_53 = arith.constant 0 : i32
      %dma_wait3A_54 = tpu.memref_slice %arg14[%add3A_44, %dma_wait3A_53] : memref<10240x128xf32, #tpu.memory_space<vmem_shared>> -> memref<80x128xf32, #tpu.memory_space<vmem_shared>>
      tpu.wait_dma2 semaphore(%run_scoped3A : memref<!tpu.dma_semaphore, #tpu.memory_space<semaphore_mem>>) src(%dma_wait3A_54 : memref<80x128xf32, #tpu.memory_space<vmem_shared>>) dst(%arg10 : memref<80x128xf32, #tpu.memory_space<vmem>>)
      tpu.yield
    }) : () -> ()
    "tpu.region"() ({
      %run_scoped3A = tpu.sem_alloc : memref<!tpu.dma_semaphore, #tpu.memory_space<semaphore_mem>>
      %dma_start3A = arith.constant 0 : i32
      %dma_start3A_49 = tpu.memref_slice %arg7[%arg0, %add3A_44, %dma_start3A] : memref<2x10240x128xf32, #tpu.memory_space<hbm>> -> memref<1x80x128xf32, #tpu.memory_space<hbm>>
      %dma_start3A_50 = tpu.memref_squeeze %dma_start3A_49 : memref<1x80x128xf32, #tpu.memory_space<hbm>> -> memref<80x128xf32, #tpu.memory_space<hbm>>
      %dma_start3A_51 = arith.constant 0 : i32
      %dma_start3A_52 = tpu.memref_slice %arg7[%arg0, %add3A_44, %dma_start3A_51] : memref<2x10240x128xf32, #tpu.memory_space<hbm>> -> memref<1x80x128xf32, #tpu.memory_space<hbm>>
      %dma_start3A_53 = tpu.memref_squeeze %dma_start3A_52 : memref<1x80x128xf32, #tpu.memory_space<hbm>> -> memref<80x128xf32, #tpu.memory_space<hbm>>
      tpu.enqueue_dma source(%arg10 : memref<80x128xf32, #tpu.memory_space<vmem>>) target(%dma_start3A_53 : memref<80x128xf32, #tpu.memory_space<hbm>>) target_semaphore(%run_scoped3A : memref<!tpu.dma_semaphore, #tpu.memory_space<semaphore_mem>>)
      %dma_wait3A = arith.constant 0 : i32
      %dma_wait3A_54 = tpu.memref_slice %arg7[%arg0, %add3A_44, %dma_wait3A] : memref<2x10240x128xf32, #tpu.memory_space<hbm>> -> memref<1x80x128xf32, #tpu.memory_space<hbm>>
      %dma_wait3A_55 = tpu.memref_squeeze %dma_wait3A_54 : memref<1x80x128xf32, #tpu.memory_space<hbm>> -> memref<80x128xf32, #tpu.memory_space<hbm>>
      %dma_wait3A_56 = arith.constant 0 : i32
      %dma_wait3A_57 = tpu.memref_slice %arg7[%arg0, %add3A_44, %dma_wait3A_56] : memref<2x10240x128xf32, #tpu.memory_space<hbm>> -> memref<1x80x128xf32, #tpu.memory_space<hbm>>
      %dma_wait3A_58 = tpu.memref_squeeze %dma_wait3A_57 : memref<1x80x128xf32, #tpu.memory_space<hbm>> -> memref<80x128xf32, #tpu.memory_space<hbm>>
      tpu.wait_dma2 semaphore(%run_scoped3A : memref<!tpu.dma_semaphore, #tpu.memory_space<semaphore_mem>>) src(%arg10 : memref<80x128xf32, #tpu.memory_space<vmem>>) dst(%dma_wait3A_58 : memref<80x128xf32, #tpu.memory_space<hbm>>)
      tpu.yield
    }) : () -> ()
    %add3A_45 = arith.constant 480 : i32
    %add3A_46 = arith.addi %mul3A_2, %add3A_45 : i32
    "tpu.region"() ({
      %run_scoped3A = tpu.sem_alloc : memref<!tpu.dma_semaphore, #tpu.memory_space<semaphore_mem>>
      %dma_start3A = arith.constant 0 : i32
      %dma_start3A_49 = tpu.memref_slice %arg14[%add3A_46, %dma_start3A] : memref<10240x128xf32, #tpu.memory_space<vmem_shared>> -> memref<80x128xf32, #tpu.memory_space<vmem_shared>>
      %dma_start3A_50 = arith.constant 0 : i32
      %dma_start3A_51 = tpu.memref_slice %arg14[%add3A_46, %dma_start3A_50] : memref<10240x128xf32, #tpu.memory_space<vmem_shared>> -> memref<80x128xf32, #tpu.memory_space<vmem_shared>>
      tpu.enqueue_dma source(%dma_start3A_51 : memref<80x128xf32, #tpu.memory_space<vmem_shared>>) target(%arg10 : memref<80x128xf32, #tpu.memory_space<vmem>>) target_semaphore(%run_scoped3A : memref<!tpu.dma_semaphore, #tpu.memory_space<semaphore_mem>>)
      %dma_wait3A = arith.constant 0 : i32
      %dma_wait3A_52 = tpu.memref_slice %arg14[%add3A_46, %dma_wait3A] : memref<10240x128xf32, #tpu.memory_space<vmem_shared>> -> memref<80x128xf32, #tpu.memory_space<vmem_shared>>
      %dma_wait3A_53 = arith.constant 0 : i32
      %dma_wait3A_54 = tpu.memref_slice %arg14[%add3A_46, %dma_wait3A_53] : memref<10240x128xf32, #tpu.memory_space<vmem_shared>> -> memref<80x128xf32, #tpu.memory_space<vmem_shared>>
      tpu.wait_dma2 semaphore(%run_scoped3A : memref<!tpu.dma_semaphore, #tpu.memory_space<semaphore_mem>>) src(%dma_wait3A_54 : memref<80x128xf32, #tpu.memory_space<vmem_shared>>) dst(%arg10 : memref<80x128xf32, #tpu.memory_space<vmem>>)
      tpu.yield
    }) : () -> ()
    "tpu.region"() ({
      %run_scoped3A = tpu.sem_alloc : memref<!tpu.dma_semaphore, #tpu.memory_space<semaphore_mem>>
      %dma_start3A = arith.constant 0 : i32
      %dma_start3A_49 = tpu.memref_slice %arg7[%arg0, %add3A_46, %dma_start3A] : memref<2x10240x128xf32, #tpu.memory_space<hbm>> -> memref<1x80x128xf32, #tpu.memory_space<hbm>>
      %dma_start3A_50 = tpu.memref_squeeze %dma_start3A_49 : memref<1x80x128xf32, #tpu.memory_space<hbm>> -> memref<80x128xf32, #tpu.memory_space<hbm>>
      %dma_start3A_51 = arith.constant 0 : i32
      %dma_start3A_52 = tpu.memref_slice %arg7[%arg0, %add3A_46, %dma_start3A_51] : memref<2x10240x128xf32, #tpu.memory_space<hbm>> -> memref<1x80x128xf32, #tpu.memory_space<hbm>>
      %dma_start3A_53 = tpu.memref_squeeze %dma_start3A_52 : memref<1x80x128xf32, #tpu.memory_space<hbm>> -> memref<80x128xf32, #tpu.memory_space<hbm>>
      tpu.enqueue_dma source(%arg10 : memref<80x128xf32, #tpu.memory_space<vmem>>) target(%dma_start3A_53 : memref<80x128xf32, #tpu.memory_space<hbm>>) target_semaphore(%run_scoped3A : memref<!tpu.dma_semaphore, #tpu.memory_space<semaphore_mem>>)
      %dma_wait3A = arith.constant 0 : i32
      %dma_wait3A_54 = tpu.memref_slice %arg7[%arg0, %add3A_46, %dma_wait3A] : memref<2x10240x128xf32, #tpu.memory_space<hbm>> -> memref<1x80x128xf32, #tpu.memory_space<hbm>>
      %dma_wait3A_55 = tpu.memref_squeeze %dma_wait3A_54 : memref<1x80x128xf32, #tpu.memory_space<hbm>> -> memref<80x128xf32, #tpu.memory_space<hbm>>
      %dma_wait3A_56 = arith.constant 0 : i32
      %dma_wait3A_57 = tpu.memref_slice %arg7[%arg0, %add3A_46, %dma_wait3A_56] : memref<2x10240x128xf32, #tpu.memory_space<hbm>> -> memref<1x80x128xf32, #tpu.memory_space<hbm>>
      %dma_wait3A_58 = tpu.memref_squeeze %dma_wait3A_57 : memref<1x80x128xf32, #tpu.memory_space<hbm>> -> memref<80x128xf32, #tpu.memory_space<hbm>>
      tpu.wait_dma2 semaphore(%run_scoped3A : memref<!tpu.dma_semaphore, #tpu.memory_space<semaphore_mem>>) src(%arg10 : memref<80x128xf32, #tpu.memory_space<vmem>>) dst(%dma_wait3A_58 : memref<80x128xf32, #tpu.memory_space<hbm>>)
      tpu.yield
    }) : () -> ()
    %add3A_47 = arith.constant 560 : i32
    %add3A_48 = arith.addi %mul3A_2, %add3A_47 : i32
    "tpu.region"() ({
      %run_scoped3A = tpu.sem_alloc : memref<!tpu.dma_semaphore, #tpu.memory_space<semaphore_mem>>
      %dma_start3A = arith.constant 0 : i32
      %dma_start3A_49 = tpu.memref_slice %arg14[%add3A_48, %dma_start3A] : memref<10240x128xf32, #tpu.memory_space<vmem_shared>> -> memref<80x128xf32, #tpu.memory_space<vmem_shared>>
      %dma_start3A_50 = arith.constant 0 : i32
      %dma_start3A_51 = tpu.memref_slice %arg14[%add3A_48, %dma_start3A_50] : memref<10240x128xf32, #tpu.memory_space<vmem_shared>> -> memref<80x128xf32, #tpu.memory_space<vmem_shared>>
      tpu.enqueue_dma source(%dma_start3A_51 : memref<80x128xf32, #tpu.memory_space<vmem_shared>>) target(%arg10 : memref<80x128xf32, #tpu.memory_space<vmem>>) target_semaphore(%run_scoped3A : memref<!tpu.dma_semaphore, #tpu.memory_space<semaphore_mem>>)
      %dma_wait3A = arith.constant 0 : i32
      %dma_wait3A_52 = tpu.memref_slice %arg14[%add3A_48, %dma_wait3A] : memref<10240x128xf32, #tpu.memory_space<vmem_shared>> -> memref<80x128xf32, #tpu.memory_space<vmem_shared>>
      %dma_wait3A_53 = arith.constant 0 : i32
      %dma_wait3A_54 = tpu.memref_slice %arg14[%add3A_48, %dma_wait3A_53] : memref<10240x128xf32, #tpu.memory_space<vmem_shared>> -> memref<80x128xf32, #tpu.memory_space<vmem_shared>>
      tpu.wait_dma2 semaphore(%run_scoped3A : memref<!tpu.dma_semaphore, #tpu.memory_space<semaphore_mem>>) src(%dma_wait3A_54 : memref<80x128xf32, #tpu.memory_space<vmem_shared>>) dst(%arg10 : memref<80x128xf32, #tpu.memory_space<vmem>>)
      tpu.yield
    }) : () -> ()
    "tpu.region"() ({
      %run_scoped3A = tpu.sem_alloc : memref<!tpu.dma_semaphore, #tpu.memory_space<semaphore_mem>>
      %dma_start3A = arith.constant 0 : i32
      %dma_start3A_49 = tpu.memref_slice %arg7[%arg0, %add3A_48, %dma_start3A] : memref<2x10240x128xf32, #tpu.memory_space<hbm>> -> memref<1x80x128xf32, #tpu.memory_space<hbm>>
      %dma_start3A_50 = tpu.memref_squeeze %dma_start3A_49 : memref<1x80x128xf32, #tpu.memory_space<hbm>> -> memref<80x128xf32, #tpu.memory_space<hbm>>
      %dma_start3A_51 = arith.constant 0 : i32
      %dma_start3A_52 = tpu.memref_slice %arg7[%arg0, %add3A_48, %dma_start3A_51] : memref<2x10240x128xf32, #tpu.memory_space<hbm>> -> memref<1x80x128xf32, #tpu.memory_space<hbm>>
      %dma_start3A_53 = tpu.memref_squeeze %dma_start3A_52 : memref<1x80x128xf32, #tpu.memory_space<hbm>> -> memref<80x128xf32, #tpu.memory_space<hbm>>
      tpu.enqueue_dma source(%arg10 : memref<80x128xf32, #tpu.memory_space<vmem>>) target(%dma_start3A_53 : memref<80x128xf32, #tpu.memory_space<hbm>>) target_semaphore(%run_scoped3A : memref<!tpu.dma_semaphore, #tpu.memory_space<semaphore_mem>>)
      %dma_wait3A = arith.constant 0 : i32
      %dma_wait3A_54 = tpu.memref_slice %arg7[%arg0, %add3A_48, %dma_wait3A] : memref<2x10240x128xf32, #tpu.memory_space<hbm>> -> memref<1x80x128xf32, #tpu.memory_space<hbm>>
      %dma_wait3A_55 = tpu.memref_squeeze %dma_wait3A_54 : memref<1x80x128xf32, #tpu.memory_space<hbm>> -> memref<80x128xf32, #tpu.memory_space<hbm>>
      %dma_wait3A_56 = arith.constant 0 : i32
      %dma_wait3A_57 = tpu.memref_slice %arg7[%arg0, %add3A_48, %dma_wait3A_56] : memref<2x10240x128xf32, #tpu.memory_space<hbm>> -> memref<1x80x128xf32, #tpu.memory_space<hbm>>
      %dma_wait3A_58 = tpu.memref_squeeze %dma_wait3A_57 : memref<1x80x128xf32, #tpu.memory_space<hbm>> -> memref<80x128xf32, #tpu.memory_space<hbm>>
      tpu.wait_dma2 semaphore(%run_scoped3A : memref<!tpu.dma_semaphore, #tpu.memory_space<semaphore_mem>>) src(%arg10 : memref<80x128xf32, #tpu.memory_space<vmem>>) dst(%dma_wait3A_58 : memref<80x128xf32, #tpu.memory_space<hbm>>)
      tpu.yield
    }) : () -> ()
    return
  }
}

module attributes {stable_mosaic.version = 14 : i64} {
  func.func @_proj_body(%arg0: memref<10000x128xf32, #tpu.memory_space<vmem>>, %arg1: memref<128x128xf32, #tpu.memory_space<vmem>>, %arg2: memref<128x128xf32, #tpu.memory_space<vmem>>, %arg3: memref<10000x128xf32, #tpu.memory_space<vmem>>, %arg4: memref<10000x128xf32, #tpu.memory_space<vmem>>) attributes {dimension_semantics = [], scalar_prefetch = 0 : i64, scratch_operands = 0 : i64, tpu.core_type = #tpu.core_type<tc>} {
    %get3A = arith.constant 0 : index
    %get3A_0 = arith.constant 0 : index
    %get3A_1 = vector.load %arg0[%get3A, %get3A_0] : memref<10000x128xf32, #tpu.memory_space<vmem>>, vector<10000x128xf32>
    %get3A_2 = arith.constant 0 : index
    %get3A_3 = arith.constant 0 : index
    %get3A_4 = vector.load %arg1[%get3A_2, %get3A_3] : memref<128x128xf32, #tpu.memory_space<vmem>>, vector<128x128xf32>
    %dot_general3A = arith.constant dense<0.000000e+00> : vector<10000x128xf32>
    %dot_general3A_5 = tpu.matmul %get3A_1, %get3A_4, %dot_general3A {dimension_numbers = #tpu.dot_dimension_numbers<[1], [0], [0], [1], [0, 0, 1, 1], [], []>, transpose_lhs_hint = false} : vector<10000x128xf32>, vector<128x128xf32>, vector<10000x128xf32> -> vector<10000x128xf32>
    %swap3A = arith.constant 0 : index
    %swap3A_6 = arith.constant 0 : index
    %swap3A_7 = vector.load %arg3[%swap3A, %swap3A_6] : memref<10000x128xf32, #tpu.memory_space<vmem>>, vector<10000x128xf32>
    tpu.vector_store %arg3[%swap3A, %swap3A_6], %dot_general3A_5 {strides = array<i32>} : memref<10000x128xf32, #tpu.memory_space<vmem>>, vector<10000x128xf32>,
    %get3A_8 = arith.constant 0 : index
    %get3A_9 = arith.constant 0 : index
    %get3A_10 = vector.load %arg2[%get3A_8, %get3A_9] : memref<128x128xf32, #tpu.memory_space<vmem>>, vector<128x128xf32>
    %dot_general3A_11 = arith.constant dense<0.000000e+00> : vector<10000x128xf32>
    %dot_general3A_12 = tpu.matmul %get3A_1, %get3A_10, %dot_general3A_11 {dimension_numbers = #tpu.dot_dimension_numbers<[1], [0], [0], [1], [0, 0, 1, 1], [], []>, transpose_lhs_hint = false} : vector<10000x128xf32>, vector<128x128xf32>, vector<10000x128xf32> -> vector<10000x128xf32>
    %swap3A_13 = arith.constant 0 : index
    %swap3A_14 = arith.constant 0 : index
    %swap3A_15 = vector.load %arg4[%swap3A_13, %swap3A_14] : memref<10000x128xf32, #tpu.memory_space<vmem>>, vector<10000x128xf32>
    tpu.vector_store %arg4[%swap3A_13, %swap3A_14], %dot_general3A_12 {strides = array<i32>} : memref<10000x128xf32, #tpu.memory_space<vmem>>, vector<10000x128xf32>,
    return
  }
}

module attributes {stable_mosaic.version = 14 : i64} {
  func.func @_edge_body(%arg0: i32, %arg1: memref<1x1x2000xf32, #tpu.memory_space<vmem>>, %arg2: memref<2000x16xf32, #tpu.memory_space<vmem>>, %arg3: memref<1x1x2000xi32, #tpu.memory_space<vmem>>, %arg4: memref<128x1xf32, #tpu.memory_space<vmem>>, %arg5: memref<128x1xf32, #tpu.memory_space<vmem>>, %arg6: memref<16x128xbf16, #tpu.memory_space<vmem>>, %arg7: memref<128x128xbf16, #tpu.memory_space<vmem>>, %arg8: memref<1x128xf32, #tpu.memory_space<vmem>>, %arg9: memref<2000x128xf32, #tpu.memory_space<vmem>>, %arg10: memref<128x128xf32, #tpu.memory_space<vmem>>) attributes {dimension_semantics = [#tpu.dimension_semantics<arbitrary>], iteration_bounds = array<i64: 160>, scalar_prefetch = 0 : i64, scratch_operands = 0 : i64, tpu.core_type = #tpu.core_type<tc>, window_params = [{transform_indices = @transform_0, window_bounds = array<i64: 1, 1, 2000>}, {transform_indices = @transform_1, window_bounds = array<i64: 2000, 16>}, {transform_indices = @transform_2, window_bounds = array<i64: 1, 1, 2000>}, {pipeline_mode = #tpu.pipeline_mode<synchronous>, transform_indices = @transform_3, window_bounds = array<i64: 128, 1>}, {pipeline_mode = #tpu.pipeline_mode<synchronous>, transform_indices = @transform_4, window_bounds = array<i64: 128, 1>}, {pipeline_mode = #tpu.pipeline_mode<synchronous>, transform_indices = @transform_5, window_bounds = array<i64: 16, 128>}, {pipeline_mode = #tpu.pipeline_mode<synchronous>, transform_indices = @transform_6, window_bounds = array<i64: 128, 128>}, {pipeline_mode = #tpu.pipeline_mode<synchronous>, transform_indices = @transform_7, window_bounds = array<i64: 1, 128>}, {transform_indices = @transform_8, window_bounds = array<i64: 2000, 128>}, {pipeline_mode = #tpu.pipeline_mode<synchronous>, transform_indices = @transform_9, window_bounds = array<i64: 128, 128>}]} {
    %get3A = arith.constant 0 : index
    %get3A_0 = arith.constant 0 : index
    %get3A_1 = arith.constant 0 : index
    %get3A_2 = vector.load %arg1[%get3A, %get3A_0, %get3A_1] : memref<1x1x2000xf32, #tpu.memory_space<vmem>>, vector<1x1x2000xf32>
    %get3A_3 = vector.shape_cast %get3A_2 : vector<1x1x2000xf32> to vector<1x2000xf32>
    %get3A_4 = arith.constant 0 : index
    %get3A_5 = arith.constant 0 : index
    %get3A_6 = vector.load %arg4[%get3A_4, %get3A_5] : memref<128x1xf32, #tpu.memory_space<vmem>>, vector<128x1xf32>
    %mul3A = vector.broadcast %get3A_6 : vector<128x1xf32> to vector<128x2000xf32>
    %mul3A_7 = vector.broadcast %get3A_3 : vector<1x2000xf32> to vector<128x2000xf32>
    %mul3A_8 = arith.mulf %mul3A, %mul3A_7 : vector<128x2000xf32>
    %get3A_9 = arith.constant 0 : index
    %get3A_10 = arith.constant 0 : index
    %get3A_11 = vector.load %arg5[%get3A_9, %get3A_10] : memref<128x1xf32, #tpu.memory_space<vmem>>, vector<128x1xf32>
    %add3A = vector.broadcast %get3A_11 : vector<128x1xf32> to vector<128x2000xf32>
    %add3A_12 = arith.addf %mul3A_8, %add3A : vector<128x2000xf32>
    %mul3A_13 = arith.constant 0.159154937 : f32
    %mul3A_14 = vector.broadcast %mul3A_13 : f32 to vector<128x2000xf32>
    %mul3A_15 = arith.mulf %add3A_12, %mul3A_14 : vector<128x2000xf32>
    %round3A = math.roundeven %mul3A_15 : vector<128x2000xf32>
    %sub3A = arith.subf %mul3A_15, %round3A : vector<128x2000xf32>
    %mul3A_16 = arith.mulf %sub3A, %sub3A : vector<128x2000xf32>
    %mul3A_17 = arith.constant 6.57561159 : f32
    %mul3A_18 = vector.broadcast %mul3A_17 : f32 to vector<128x2000xf32>
    %mul3A_19 = arith.mulf %mul3A_18, %mul3A_16 : vector<128x2000xf32>
    %add3A_20 = arith.constant -26.0005283 : f32
    %add3A_21 = vector.broadcast %add3A_20 : f32 to vector<128x2000xf32>
    %add3A_22 = arith.addf %mul3A_19, %add3A_21 : vector<128x2000xf32>
    %mul3A_23 = arith.mulf %add3A_22, %mul3A_16 : vector<128x2000xf32>
    %add3A_24 = arith.constant 60.1762314 : f32
    %add3A_25 = vector.broadcast %add3A_24 : f32 to vector<128x2000xf32>
    %add3A_26 = arith.addf %mul3A_23, %add3A_25 : vector<128x2000xf32>
    %mul3A_27 = arith.mulf %add3A_26, %mul3A_16 : vector<128x2000xf32>
    %add3A_28 = arith.constant -85.4511642 : f32
    %add3A_29 = vector.broadcast %add3A_28 : f32 to vector<128x2000xf32>
    %add3A_30 = arith.addf %mul3A_27, %add3A_29 : vector<128x2000xf32>
    %mul3A_31 = arith.mulf %add3A_30, %mul3A_16 : vector<128x2000xf32>
    %add3A_32 = arith.constant 64.9391708 : f32
    %add3A_33 = vector.broadcast %add3A_32 : f32 to vector<128x2000xf32>
    %add3A_34 = arith.addf %mul3A_31, %add3A_33 : vector<128x2000xf32>
    %mul3A_35 = arith.mulf %add3A_34, %mul3A_16 : vector<128x2000xf32>
    %add3A_36 = arith.constant -19.7392063 : f32
    %add3A_37 = vector.broadcast %add3A_36 : f32 to vector<128x2000xf32>
    %add3A_38 = arith.addf %mul3A_35, %add3A_37 : vector<128x2000xf32>
    %mul3A_39 = arith.mulf %add3A_38, %mul3A_16 : vector<128x2000xf32>
    %add3A_40 = arith.constant 1.000000e+00 : f32
    %add3A_41 = vector.broadcast %add3A_40 : f32 to vector<128x2000xf32>
    %add3A_42 = arith.addf %mul3A_39, %add3A_41 : vector<128x2000xf32>
    %convert_element_type3A = arith.truncf %add3A_42 : vector<128x2000xf32> to vector<128x2000xbf16>
    %get3A_43 = arith.constant 0 : index
    %get3A_44 = arith.constant 0 : index
    %get3A_45 = vector.load %arg7[%get3A_43, %get3A_44] : memref<128x128xbf16, #tpu.memory_space<vmem>>, vector<128x128xbf16>
    %dot_general3A = arith.constant dense<0.000000e+00> : vector<2000x128xf32>
    %dot_general3A_46 = tpu.matmul %convert_element_type3A, %get3A_45, %dot_general3A {dimension_numbers = #tpu.dot_dimension_numbers<[0], [0], [1], [1], [0, 1, 1, 1], [], []>, transpose_lhs_hint = false} : vector<128x2000xbf16>, vector<128x128xbf16>, vector<2000x128xf32> -> vector<2000x128xf32>
    %get3A_47 = arith.constant 0 : index
    %get3A_48 = arith.constant 0 : index
    %get3A_49 = vector.load %arg2[%get3A_47, %get3A_48] : memref<2000x16xf32, #tpu.memory_space<vmem>>, vector<2000x16xf32>
    %convert_element_type3A_50 = arith.truncf %get3A_49 : vector<2000x16xf32> to vector<2000x16xbf16>
    %get3A_51 = arith.constant 0 : index
    %get3A_52 = arith.constant 0 : index
    %get3A_53 = vector.load %arg6[%get3A_51, %get3A_52] : memref<16x128xbf16, #tpu.memory_space<vmem>>, vector<16x128xbf16>
    %dot_general3A_54 = arith.constant dense<0.000000e+00> : vector<2000x128xf32>
    %dot_general3A_55 = tpu.matmul %convert_element_type3A_50, %get3A_53, %dot_general3A_54 {dimension_numbers = #tpu.dot_dimension_numbers<[1], [0], [0], [1], [0, 0, 1, 1], [], []>, transpose_lhs_hint = false} : vector<2000x16xbf16>, vector<16x128xbf16>, vector<2000x128xf32> -> vector<2000x128xf32>
    %add3A_56 = arith.addf %dot_general3A_46, %dot_general3A_55 : vector<2000x128xf32>
    %get3A_57 = arith.constant 0 : index
    %get3A_58 = arith.constant 0 : index
    %get3A_59 = vector.load %arg8[%get3A_57, %get3A_58] : memref<1x128xf32, #tpu.memory_space<vmem>>, vector<1x128xf32>
    %add3A_60 = vector.broadcast %get3A_59 : vector<1x128xf32> to vector<2000x128xf32>
    %add3A_61 = arith.addf %add3A_56, %add3A_60 : vector<2000x128xf32>
    %swap3A = arith.constant 0 : index
    %swap3A_62 = arith.constant 0 : index
    %swap3A_63 = vector.load %arg9[%swap3A, %swap3A_62] : memref<2000x128xf32, #tpu.memory_space<vmem>>, vector<2000x128xf32>
    tpu.vector_store %arg9[%swap3A, %swap3A_62], %add3A_61 {strides = array<i32>} : memref<2000x128xf32, #tpu.memory_space<vmem>>, vector<2000x128xf32>,
    %get3A_64 = arith.constant 0 : index
    %get3A_65 = arith.constant 0 : index
    %get3A_66 = arith.constant 0 : index
    %get3A_67 = vector.load %arg3[%get3A_64, %get3A_65, %get3A_66] : memref<1x1x2000xi32, #tpu.memory_space<vmem>>, vector<1x1x2000xi32>
    %get3A_68 = vector.shape_cast %get3A_67 : vector<1x1x2000xi32> to vector<1x2000xi32>
    %iota3A = tpu.iota {dimensions = array<i32: 0>} : vector<128x2000xi32>
    %and3A = arith.constant 127 : i32
    %and3A_69 = vector.broadcast %and3A : i32 to vector<1x2000xi32>
    %and3A_70 = arith.andi %get3A_68, %and3A_69 : vector<1x2000xi32>
    %eq3A = vector.broadcast %and3A_70 : vector<1x2000xi32> to vector<128x2000xi32>
    %eq3A_71 = arith.cmpi eq, %eq3A, %iota3A : vector<128x2000xi32>
    %convert_element_type3A_72 = arith.extui %eq3A_71 : vector<128x2000xi1> to vector<128x2000xi32>
    %convert_element_type3A_73 = arith.sitofp %convert_element_type3A_72 : vector<128x2000xi32> to vector<128x2000xf32>
    %convert_element_type3A_74 = arith.truncf %convert_element_type3A_73 : vector<128x2000xf32> to vector<128x2000xbf16>
    %shift_right_arithmetic3A = arith.constant 7 : i32
    %shift_right_arithmetic3A_75 = vector.broadcast %shift_right_arithmetic3A : i32 to vector<1x2000xi32>
    %shift_right_arithmetic3A_76 = arith.shrsi %get3A_68, %shift_right_arithmetic3A_75 : vector<1x2000xi32>
    %eq3A_77 = vector.broadcast %shift_right_arithmetic3A_76 : vector<1x2000xi32> to vector<128x2000xi32>
    %eq3A_78 = arith.cmpi eq, %eq3A_77, %iota3A : vector<128x2000xi32>
    %convert_element_type3A_79 = arith.extui %eq3A_78 : vector<128x2000xi1> to vector<128x2000xi32>
    %convert_element_type3A_80 = arith.sitofp %convert_element_type3A_79 : vector<128x2000xi32> to vector<128x2000xf32>
    %convert_element_type3A_81 = arith.truncf %convert_element_type3A_80 : vector<128x2000xf32> to vector<128x2000xbf16>
    %dot_general3A_82 = arith.constant dense<0.000000e+00> : vector<128x128xf32>
    %dot_general3A_83 = tpu.matmul %convert_element_type3A_81, %convert_element_type3A_74, %dot_general3A_82 {dimension_numbers = #tpu.dot_dimension_numbers<[1], [1], [0], [0], [0, 0, 1, 0], [], []>, transpose_lhs_hint = false} : vector<128x2000xbf16>, vector<128x2000xbf16>, vector<128x128xf32> -> vector<128x128xf32>
    %eq3A_84 = arith.constant 0 : i32
    %eq3A_85 = arith.cmpi eq, %arg0, %eq3A_84 : i32
    %convert_element_type3A_86 = arith.extui %eq3A_85 : i1 to i32
    %cond3A = arith.constant 0 : i32
    %cond3A_87 = arith.cmpi ne, %convert_element_type3A_86, %cond3A : i32
    scf.if %cond3A_87 {
      %broadcast_in_dim3A = arith.constant 0.000000e+00 : f32
      %broadcast_in_dim3A_95 = vector.broadcast %broadcast_in_dim3A : f32 to vector<128x128xf32>
      %swap3A_96 = arith.constant 0 : index
      %swap3A_97 = arith.constant 0 : index
      %swap3A_98 = vector.load %arg10[%swap3A_96, %swap3A_97] : memref<128x128xf32, #tpu.memory_space<vmem>>, vector<128x128xf32>
      tpu.vector_store %arg10[%swap3A_96, %swap3A_97], %broadcast_in_dim3A_95 {strides = array<i32>} : memref<128x128xf32, #tpu.memory_space<vmem>>, vector<128x128xf32>,
    } else {
    }
    %get3A_88 = arith.constant 0 : index
    %get3A_89 = arith.constant 0 : index
    %get3A_90 = vector.load %arg10[%get3A_88, %get3A_89] : memref<128x128xf32, #tpu.memory_space<vmem>>, vector<128x128xf32>
    %add3A_91 = arith.addf %get3A_90, %dot_general3A_83 : vector<128x128xf32>
    %swap3A_92 = arith.constant 0 : index
    %swap3A_93 = arith.constant 0 : index
    %swap3A_94 = vector.load %arg10[%swap3A_92, %swap3A_93] : memref<128x128xf32, #tpu.memory_space<vmem>>, vector<128x128xf32>
    tpu.vector_store %arg10[%swap3A_92, %swap3A_93], %add3A_91 {strides = array<i32>} : memref<128x128xf32, #tpu.memory_space<vmem>>, vector<128x128xf32>,
    return
  }
  func.func @transform_0(%arg0: i32) -> (i32, i32, i32) {
    %c0_i32 = arith.constant 0 : i32
    %c0_i32_0 = arith.constant 0 : i32
    %c0_i32_1 = arith.constant 0 : i32
    return %arg0, %c0_i32, %c0_i32_0 : i32, i32, i32
  }
  func.func @transform_1(%arg0: i32) -> (i32, i32) {
    %c0_i32 = arith.constant 0 : i32
    %c0_i32_0 = arith.constant 0 : i32
    return %arg0, %c0_i32 : i32, i32
  }
  func.func @transform_2(%arg0: i32) -> (i32, i32, i32) {
    %c0_i32 = arith.constant 0 : i32
    %c0_i32_0 = arith.constant 0 : i32
    %c0_i32_1 = arith.constant 0 : i32
    return %arg0, %c0_i32, %c0_i32_0 : i32, i32, i32
  }
  func.func @transform_3(%arg0: i32) -> (i32, i32) {
    %c0_i32 = arith.constant 0 : i32
    %c0_i32_0 = arith.constant 0 : i32
    %c0_i32_1 = arith.constant 0 : i32
    return %c0_i32, %c0_i32_0 : i32, i32
  }
  func.func @transform_4(%arg0: i32) -> (i32, i32) {
    %c0_i32 = arith.constant 0 : i32
    %c0_i32_0 = arith.constant 0 : i32
    %c0_i32_1 = arith.constant 0 : i32
    return %c0_i32, %c0_i32_0 : i32, i32
  }
  func.func @transform_5(%arg0: i32) -> (i32, i32) {
    %c0_i32 = arith.constant 0 : i32
    %c0_i32_0 = arith.constant 0 : i32
    %c0_i32_1 = arith.constant 0 : i32
    return %c0_i32, %c0_i32_0 : i32, i32
  }
  func.func @transform_6(%arg0: i32) -> (i32, i32) {
    %c0_i32 = arith.constant 0 : i32
    %c0_i32_0 = arith.constant 0 : i32
    %c0_i32_1 = arith.constant 0 : i32
    return %c0_i32, %c0_i32_0 : i32, i32
  }
  func.func @transform_7(%arg0: i32) -> (i32, i32) {
    %c0_i32 = arith.constant 0 : i32
    %c0_i32_0 = arith.constant 0 : i32
    %c0_i32_1 = arith.constant 0 : i32
    return %c0_i32, %c0_i32_0 : i32, i32
  }
  func.func @transform_8(%arg0: i32) -> (i32, i32) {
    %c0_i32 = arith.constant 0 : i32
    %c0_i32_0 = arith.constant 0 : i32
    return %arg0, %c0_i32 : i32, i32
  }
  func.func @transform_9(%arg0: i32) -> (i32, i32) {
    %c0_i32 = arith.constant 0 : i32
    %c0_i32_0 = arith.constant 0 : i32
    %c0_i32_1 = arith.constant 0 : i32
    return %c0_i32, %c0_i32_0 : i32, i32
  }
}

module attributes {stable_mosaic.version = 14 : i64} {
  func.func @_head_body(%arg0: memref<2x10240x128xf32, #tpu.memory_space<vmem>>, %arg1: memref<10000x1xf32, #tpu.memory_space<vmem>>, %arg2: memref<10000x128xf32, #tpu.memory_space<vmem>>, %arg3: memref<128x384xf32, #tpu.memory_space<vmem>>, %arg4: memref<128x384xf32, #tpu.memory_space<vmem>>, %arg5: memref<1x384xf32, #tpu.memory_space<vmem>>, %arg6: memref<1x384xf32, #tpu.memory_space<vmem>>, %arg7: memref<128x2xf32, #tpu.memory_space<vmem>>, %arg8: memref<1x2xf32, #tpu.memory_space<vmem>>, %arg9: memref<1x2xf32, #tpu.memory_space<vmem>>) attributes {dimension_semantics = [], scalar_prefetch = 0 : i64, scratch_operands = 0 : i64, tpu.core_type = #tpu.core_type<tc>} {
    %get3A = arith.constant 0 : index
    %get3A_0 = arith.constant 0 : index
    %get3A_1 = arith.constant 0 : index
    %get3A_2 = vector.load %arg0[%get3A, %get3A_0, %get3A_1] : memref<2x10240x128xf32, #tpu.memory_space<vmem>>, vector<1x10000x128xf32>
    %get3A_3 = vector.shape_cast %get3A_2 : vector<1x10000x128xf32> to vector<10000x128xf32>
    %get3A_4 = arith.constant 1 : index
    %get3A_5 = arith.constant 0 : index
    %get3A_6 = arith.constant 0 : index
    %get3A_7 = vector.load %arg0[%get3A_4, %get3A_5, %get3A_6] : memref<2x10240x128xf32, #tpu.memory_space<vmem>>, vector<1x10000x128xf32>
    %get3A_8 = vector.shape_cast %get3A_7 : vector<1x10000x128xf32> to vector<10000x128xf32>
    %add3A = arith.addf %get3A_3, %get3A_8 : vector<10000x128xf32>
    %get3A_9 = arith.constant 0 : index
    %get3A_10 = arith.constant 0 : index
    %get3A_11 = vector.load %arg1[%get3A_9, %get3A_10] : memref<10000x1xf32, #tpu.memory_space<vmem>>, vector<10000x1xf32>
    %max3A = arith.constant 1.000000e+00 : f32
    %max3A_12 = vector.broadcast %max3A : f32 to vector<10000x1xf32>
    %max3A_13 = arith.maximumf %get3A_11, %max3A_12 : vector<10000x1xf32>
    %div3A = vector.broadcast %max3A_13 : vector<10000x1xf32> to vector<10000x128xf32>
    %div3A_14 = arith.divf %add3A, %div3A : vector<10000x128xf32>
    %get3A_15 = arith.constant 0 : index
    %get3A_16 = arith.constant 0 : index
    %get3A_17 = vector.load %arg2[%get3A_15, %get3A_16] : memref<10000x128xf32, #tpu.memory_space<vmem>>, vector<10000x128xf32>
    %get3A_18 = arith.constant 0 : index
    %get3A_19 = arith.constant 0 : index
    %get3A_20 = vector.load %arg3[%get3A_18, %get3A_19] : memref<128x384xf32, #tpu.memory_space<vmem>>, vector<128x384xf32>
    %dot_general3A = arith.constant dense<0.000000e+00> : vector<10000x384xf32>
    %dot_general3A_21 = tpu.matmul %div3A_14, %get3A_20, %dot_general3A {dimension_numbers = #tpu.dot_dimension_numbers<[1], [0], [0], [1], [0, 0, 1, 1], [], []>, transpose_lhs_hint = false} : vector<10000x128xf32>, vector<128x384xf32>, vector<10000x384xf32> -> vector<10000x384xf32>
    %get3A_22 = arith.constant 0 : index
    %get3A_23 = arith.constant 0 : index
    %get3A_24 = vector.load %arg5[%get3A_22, %get3A_23] : memref<1x384xf32, #tpu.memory_space<vmem>>, vector<1x384xf32>
    %add3A_25 = vector.broadcast %get3A_24 : vector<1x384xf32> to vector<10000x384xf32>
    %add3A_26 = arith.addf %dot_general3A_21, %add3A_25 : vector<10000x384xf32>
    %get3A_27 = arith.constant 0 : index
    %get3A_28 = arith.constant 0 : index
    %get3A_29 = vector.load %arg4[%get3A_27, %get3A_28] : memref<128x384xf32, #tpu.memory_space<vmem>>, vector<128x384xf32>
    %dot_general3A_30 = arith.constant dense<0.000000e+00> : vector<10000x384xf32>
    %dot_general3A_31 = tpu.matmul %get3A_17, %get3A_29, %dot_general3A_30 {dimension_numbers = #tpu.dot_dimension_numbers<[1], [0], [0], [1], [0, 0, 1, 1], [], []>, transpose_lhs_hint = false} : vector<10000x128xf32>, vector<128x384xf32>, vector<10000x384xf32> -> vector<10000x384xf32>
    %get3A_32 = arith.constant 0 : index
    %get3A_33 = arith.constant 0 : index
    %get3A_34 = vector.load %arg6[%get3A_32, %get3A_33] : memref<1x384xf32, #tpu.memory_space<vmem>>, vector<1x384xf32>
    %add3A_35 = vector.broadcast %get3A_34 : vector<1x384xf32> to vector<10000x384xf32>
    %add3A_36 = arith.addf %dot_general3A_31, %add3A_35 : vector<10000x384xf32>
    %slice3A = vector.extract_strided_slice %add3A_26 {offsets = [0, 0], sizes = [10000, 128], strides = [1, 1]} : vector<10000x384xf32> to vector<10000x128xf32>
    %slice3A_37 = vector.extract_strided_slice %add3A_36 {offsets = [0, 0], sizes = [10000, 128], strides = [1, 1]} : vector<10000x384xf32> to vector<10000x128xf32>
    %add3A_38 = arith.addf %slice3A, %slice3A_37 : vector<10000x128xf32>
    %logistic3A = arith.negf %add3A_38 : vector<10000x128xf32>
    %logistic3A_39 = math.exp %logistic3A : vector<10000x128xf32>
    %logistic3A_40 = arith.constant 1.000000e+00 : f32
    %logistic3A_41 = vector.broadcast %logistic3A_40 : f32 to vector<10000x128xf32>
    %logistic3A_42 = arith.addf %logistic3A_41, %logistic3A_39 : vector<10000x128xf32>
    %logistic3A_43 = arith.divf %logistic3A_41, %logistic3A_42 : vector<10000x128xf32>
    %slice3A_44 = vector.extract_strided_slice %add3A_26 {offsets = [0, 128], sizes = [10000, 128], strides = [1, 1]} : vector<10000x384xf32> to vector<10000x128xf32>
    %slice3A_45 = vector.extract_strided_slice %add3A_36 {offsets = [0, 128], sizes = [10000, 128], strides = [1, 1]} : vector<10000x384xf32> to vector<10000x128xf32>
    %add3A_46 = arith.addf %slice3A_44, %slice3A_45 : vector<10000x128xf32>
    %logistic3A_47 = arith.negf %add3A_46 : vector<10000x128xf32>
    %logistic3A_48 = math.exp %logistic3A_47 : vector<10000x128xf32>
    %logistic3A_49 = arith.constant 1.000000e+00 : f32
    %logistic3A_50 = vector.broadcast %logistic3A_49 : f32 to vector<10000x128xf32>
    %logistic3A_51 = arith.addf %logistic3A_50, %logistic3A_48 : vector<10000x128xf32>
    %logistic3A_52 = arith.divf %logistic3A_50, %logistic3A_51 : vector<10000x128xf32>
    %slice3A_53 = vector.extract_strided_slice %add3A_26 {offsets = [0, 256], sizes = [10000, 128], strides = [1, 1]} : vector<10000x384xf32> to vector<10000x128xf32>
    %slice3A_54 = vector.extract_strided_slice %add3A_36 {offsets = [0, 256], sizes = [10000, 128], strides = [1, 1]} : vector<10000x384xf32> to vector<10000x128xf32>
    %mul3A = arith.mulf %logistic3A_43, %slice3A_54 : vector<10000x128xf32>
    %add3A_55 = arith.addf %slice3A_53, %mul3A : vector<10000x128xf32>
    %tanh3A = math.tanh %add3A_55 : vector<10000x128xf32>
    %sub3A = arith.constant 1.000000e+00 : f32
    %sub3A_56 = vector.broadcast %sub3A : f32 to vector<10000x128xf32>
    %sub3A_57 = arith.subf %sub3A_56, %logistic3A_52 : vector<10000x128xf32>
    %mul3A_58 = arith.mulf %sub3A_57, %tanh3A : vector<10000x128xf32>
    %mul3A_59 = arith.mulf %logistic3A_52, %get3A_17 : vector<10000x128xf32>
    %add3A_60 = arith.addf %mul3A_58, %mul3A_59 : vector<10000x128xf32>
    %reduce_sum3A = arith.constant dense<0.000000e+00> : vector<128xf32>
    %reduce_sum3A_61 = vector.multi_reduction <add>, %add3A_60, %reduce_sum3A [0] : vector<10000x128xf32> to vector<128xf32>
    %broadcast_in_dim3A = vector.shape_cast %reduce_sum3A_61 : vector<128xf32> to vector<1x128xf32>
    %slice3A_62 = vector.extract_strided_slice %add3A_60 {offsets = [0, 0], sizes = [1, 128], strides = [1, 1]} : vector<10000x128xf32> to vector<1x128xf32>
    %sub3A_63 = arith.subf %broadcast_in_dim3A, %slice3A_62 : vector<1x128xf32>
    %div3A_64 = arith.constant 9.999000e+03 : f32
    %div3A_65 = vector.broadcast %div3A_64 : f32 to vector<1x128xf32>
    %div3A_66 = arith.divf %sub3A_63, %div3A_65 : vector<1x128xf32>
    %tanh3A_67 = math.tanh %div3A_66 : vector<1x128xf32>
    %get3A_68 = arith.constant 0 : index
    %get3A_69 = arith.constant 0 : index
    %get3A_70 = vector.load %arg7[%get3A_68, %get3A_69] : memref<128x2xf32, #tpu.memory_space<vmem>>, vector<128x2xf32>
    %dot_general3A_71 = arith.constant dense<0.000000e+00> : vector<1x2xf32>
    %dot_general3A_72 = tpu.matmul %tanh3A_67, %get3A_70, %dot_general3A_71 {dimension_numbers = #tpu.dot_dimension_numbers<[1], [0], [0], [1], [0, 0, 1, 1], [], []>, transpose_lhs_hint = false} : vector<1x128xf32>, vector<128x2xf32>, vector<1x2xf32> -> vector<1x2xf32>
    %get3A_73 = arith.constant 0 : index
    %get3A_74 = arith.constant 0 : index
    %get3A_75 = vector.load %arg8[%get3A_73, %get3A_74] : memref<1x2xf32, #tpu.memory_space<vmem>>, vector<1x2xf32>
    %add3A_76 = arith.addf %dot_general3A_72, %get3A_75 : vector<1x2xf32>
    %reduce_max3A = arith.constant dense<0xFF800000> : vector<1xf32>
    %reduce_max3A_77 = vector.multi_reduction <maximumf>, %add3A_76, %reduce_max3A [1] : vector<1x2xf32> to vector<1xf32>
    %broadcast_in_dim3A_78 = vector.shape_cast %reduce_max3A_77 : vector<1xf32> to vector<1x1xf32>
    %sub3A_79 = vector.broadcast %broadcast_in_dim3A_78 : vector<1x1xf32> to vector<1x2xf32>
    %sub3A_80 = arith.subf %add3A_76, %sub3A_79 : vector<1x2xf32>
    %exp3A = math.exp %sub3A_80 : vector<1x2xf32>
    %reduce_sum3A_81 = arith.constant dense<0.000000e+00> : vector<1xf32>
    %reduce_sum3A_82 = vector.multi_reduction <add>, %exp3A, %reduce_sum3A_81 [1] : vector<1x2xf32> to vector<1xf32>
    %broadcast_in_dim3A_83 = vector.shape_cast %reduce_sum3A_82 : vector<1xf32> to vector<1x1xf32>
    %div3A_84 = vector.broadcast %broadcast_in_dim3A_83 : vector<1x1xf32> to vector<1x2xf32>
    %div3A_85 = arith.divf %exp3A, %div3A_84 : vector<1x2xf32>
    %swap3A = arith.constant 0 : index
    %swap3A_86 = arith.constant 0 : index
    %swap3A_87 = vector.load %arg9[%swap3A, %swap3A_86] : memref<1x2xf32, #tpu.memory_space<vmem>>, vector<1x2xf32>
    tpu.vector_store %arg9[%swap3A, %swap3A_86], %div3A_85 {strides = array<i32>} : memref<1x2xf32, #tpu.memory_space<vmem>>, vector<1x2xf32>,
    return
  }
}

</mosaic_0001>

<sc_bundles>
// kernel: kernel.6.cloned.1.call-start
scs
__scs_entry_jumppad:
0x0: {  	(pc) =	sbr.rel $0x88, $3  }
0x1: {  	(tag) =	ssettag $0x0;
	lr =	simm.s32 $0x1  }
0x2: {  	[smem:$0x3F92] =	sst lr;
	_ =	strace $0xD0000000  }
0x3: {  	_ = 	snop  }
0x4: {  	_ = 	snop  }
0x5: {  	_ = 	snop  }
0x6: {  	_ = 	snop  }
0x7: {  	_ = 	snop  }
__scs_overlays_trampoline_lowered:
0x8: {  	[smem:$0x3FA1] =	sst s0  }
0x9: {  	[smem:$0x3FA2] =	sst s1  }
0xa: {  	[smem:$0x3FA3] =	sst s2  }
0xb: {  	[smem:$0x3FA4] =	sst s3  }
0xc: {  	[smem:$0x3FA5] =	sst s4  }
0xd: {  	[smem:$0x3FA6] =	sst s5  }
0xe: {  	[smem:$0x3FA7] =	sst s6  }
0xf: {  	[smem:$0x3FA8] =	sst s7  }
0x10: {  	[smem:$0x3FA9] =	sst s8  }
0x11: {  	[smem:$0x3FAA] =	sst s9;
	s0 =	simm.s32 @!p0 $0x0  }
0x12: {  	s1 =	sld [smem:$0x3F90];
	s0 =	simm.s32 @p0 $0x1  }
0x13: {  	[smem:$0x3FAB] =	sst s0;
	s0 =	simm.s32 @!p1 $0x0  }
0x14: {  	s2 =	sld [smem:$0x3F8F];
	s0 =	simm.s32 @p1 $0x1  }
0x15: {  	[smem:$0x3FAC] =	sst s0;
	s0 =	simm.s32 @!p2 $0x0  }
0x16: {  	s3 =	sld [smem:$0x3FDB];
	s0 =	simm.s32 @p2 $0x1  }
0x17: {  	s4 =	simm.s32 $0x1BF5;
	[smem:$0x3FAE] =	sst s0  }
0x18: {  	s0 =	sld [smem:$0x3F91];
	_ =	swait.ge [sflag:s4], $0x0  }
0x19: {  	s7 =	sld [smem:$0x3F92]  }
0x1a: {  	s8 =	sadd.s32 $0xFFFFE003, lr  }
0x1b: {  	s9 =	sadd.s32 $0xFFFFFEF7, lr;
	s5 =	simm.s32 $0xFFFFFFFF;
	p2 =	slt.u32 s8, $0xFFFFF086  }
0x1c: {  	p1 =	slt.u32 s9, $0xF7A;
	s5 =	simm.s32 @!p2 $0x0  }
0x1d: {  	s5 =	simm.s32 @p1 $0x1;
	p0 =	seq.s32 s7, s2  }
0x1e: {  	s7 =	smul.u32 @!p0 $0xF7A, s2;
	p2 =	seq.s32 @!p0 s5, $0x0  }
0x1f: {  	s9 =	smul.u32 $0xF7A, s1;
	s8 =	simm.s32 @!p0 $0x1BF5;
	p2 =	por !p2, p0  }
0x20: {  	[sflag:s8] =	ssyncset.s32 @!p0 $0xFFFFF086;
	s6 =	sadd.s32 @!p0 s3, s7;
	s7 =	simm.s32 @!p0 $0x108  }
0x21: {  	s3 =	sadd.s32 s3, s9;
	s6 =	sadd.s32 @!p0 $0x88, s6;
	s7 =	simm.s32 @p2 $0x1082  }
0x22: {  	[simem:s7], [sflag:s8] =	dma.local @!p0 [hbm:s6], $0xF7A  }
0x23: {  	s9 =	sor.u32 $0xD0000000, s2;
	s6 =	simm.s32 $0x108;
	_ =	swait.ge @!p0 [sflag:s8], $0x0  }
0x24: {  	s3 =	sadd.s32 $0x88, s3;
	s6 =	simm.s32 @!p1 $0x1082;
	[sflag:s4] =	ssyncset.s32 $0xFFFFF086  }
0x25: {  	[simem:s6], [sflag:s4] =	dma.local [hbm:s3], $0xF7A  }
0x26: {  	[smem:$0x3F92] =	sst s1;
	(tag) =	ssettag s2;
	_ =	strace s9  }
0x27: {  	s1 =	sld [smem:$0x3FA2]  }
0x28: {  	s2 =	sld [smem:$0x3FA3]  }
0x29: {  	s4 =	sld [smem:$0x3FA5]  }
0x2a: {  	p0 =	seq.s32 s5, $0x0;
	s5 =	sld [smem:$0x3FA6]  }
0x2b: {  	s6 =	sld [smem:$0x3FA7]  }
0x2c: {  	s7 =	sld [smem:$0x3FA8]  }
0x2d: {  	s3 =	simm.s32 $0x108;
	s8 =	sld [smem:$0x3FA9]  }
0x2e: {  	s3 =	simm.s32 @!p0 $0x1082;
	s9 =	sld [smem:$0x3FAA]  }
0x2f: {  	lr =	sadd.s32 s0, s3;
	s0 =	sld [smem:$0x3FA1]  }
0x30: {  	s3 =	sld [smem:$0x3FA4]  }
0x31: {  	[smem:$0x3FAD] =	sst s10  }
0x32: {  	s10 =	sld [smem:$0x3FAB];
	_ =	sdelay $0x3  }
0x33: {  	p0 =	seq.s32 s10, $0x1;
	s10 =	sld [smem:$0x3FAD];
	_ =	sdelay $0x3  }
0x34: {  	[smem:$0x3FAD] =	sst s10  }
0x35: {  	s10 =	sld [smem:$0x3FAC];
	_ =	sdelay $0x3  }
0x36: {  	p1 =	seq.s32 s10, $0x1;
	s10 =	sld [smem:$0x3FAD];
	_ =	sdelay $0x3  }
0x37: {  	[smem:$0x3FAD] =	sst s10  }
0x38: {  	s10 =	sld [smem:$0x3FAE]  }
0x39: {  	_ = 	snop;
	(pc) =	sbr.ind lr, $3  }
0x3a: {  	_ = 	snop  }
0x3b: {  	_ = 	snop  }
0x3c: {  	p2 =	seq.s32 s10, $0x1;
	s10 =	sld [smem:$0x3FAD]  }
0x3d: {  	_ =	shalt  }
0x3e: {  	_ =	shalt  }
0x3f: {  	_ =	shalt  }
0x40: {  	_ =	shalt  }
0x41: {  	_ =	shalt  }
0x42: {  	_ =	shalt  }
0x43: {  	_ =	shalt  }
0x44: {  	_ =	shalt  }
0x45: {  	_ =	shalt  }
0x46: {  	_ =	shalt  }
0x47: {  	_ =	shalt  }
0x48: {  	_ =	shalt  }
0x49: {  	_ =	shalt  }
0x4a: {  	_ =	shalt  }
0x4b: {  	_ =	shalt  }
0x4c: {  	_ =	shalt  }
0x4d: {  	_ =	shalt  }
0x4e: {  	_ =	shalt  }
0x4f: {  	_ =	shalt  }
0x50: {  	_ =	shalt  }
0x51: {  	_ =	shalt  }
0x52: {  	_ =	shalt  }
0x53: {  	_ =	shalt  }
0x54: {  	_ =	shalt  }
0x55: {  	_ =	shalt  }
0x56: {  	_ =	shalt  }
0x57: {  	_ =	shalt  }
0x58: {  	_ =	shalt  }
0x59: {  	_ =	shalt  }
0x5a: {  	_ =	shalt  }
0x5b: {  	_ =	shalt  }
0x5c: {  	_ =	shalt  }
0x5d: {  	_ =	shalt  }
0x5e: {  	_ =	shalt  }
0x5f: {  	_ =	shalt  }
0x60: {  	_ =	shalt  }
0x61: {  	_ =	shalt  }
0x62: {  	_ =	shalt  }
0x63: {  	_ =	shalt  }
0x64: {  	_ =	shalt  }
0x65: {  	_ =	shalt  }
0x66: {  	_ =	shalt  }
0x67: {  	_ =	shalt  }
0x68: {  	_ =	shalt  }
0x69: {  	_ =	shalt  }
0x6a: {  	_ =	shalt  }
0x6b: {  	_ =	shalt  }
0x6c: {  	_ =	shalt  }
0x6d: {  	_ =	shalt  }
0x6e: {  	_ =	shalt  }
0x6f: {  	_ =	shalt  }
0x70: {  	_ =	shalt  }
0x71: {  	_ =	shalt  }
0x72: {  	_ =	shalt  }
0x73: {  	_ =	shalt  }
0x74: {  	_ =	shalt  }
0x75: {  	_ =	shalt  }
0x76: {  	_ =	shalt  }
0x77: {  	_ =	shalt  }
0x78: {  	_ =	shalt  }
0x79: {  	_ =	shalt  }
0x7a: {  	_ =	shalt  }
0x7b: {  	_ =	shalt  }
0x7c: {  	_ =	shalt  }
0x7d: {  	_ =	shalt  }
0x7e: {  	_ =	shalt  }
0x7f: {  	_ =	shalt  }
0x80: {  	_ =	shalt  }
0x81: {  	_ =	shalt  }
0x82: {  	_ =	shalt  }
0x83: {  	_ =	shalt  }
0x84: {  	_ =	shalt  }
0x85: {  	_ =	shalt  }
0x86: {  	_ =	shalt  }
0x87: {  	_ =	shalt  }
.Lfunc_end0:
.L_simem_size_0:
called_computation_lowered:
.L_overlay_start_0:
0x88: {  	s2 =	sld [smem:$0x3FD9]  }
0x89: {  	s3 =	sld [smem:$0x3FFE];
	_ =	sdelay $0x1  }
0x8a: {  	s1 =	srdreg.scid  }
0x8b: {  	s0 =	sand.u32 $0x1, s1  }
0x8c: {  	s16 =	sshll.u32 s0, $0xA;
	s2 =	sadd.s32 s3, s2  }
0x8d: {  	s2 =	sadd.s32 s2, s16  }
0x8e: {  	[smem:$0x3FB9] =	sst s2  }
0x8f: {  	_ = 	snop  }
0x90: {  	(tm) =	ssettm $0x1  }
0x91: {  	s17 =	sld [smem:$0x3FFB];
	_ =	sdelay $0x3  }
0x92: {  	_ =	strace s17  }
0x93: {  	s2 =	sld [smem:$0x3FFC];
	_ =	sdelay $0x3  }
0x94: {  	_ =	strace s2  }
0x95: {  	s2 =	sld [smem:$0x3FFD];
	_ =	sdelay $0x3  }
0x96: {  	_ =	strace s2  }
0x97: {  	_ =	strace $0x8FFFFFFF  }
0x98: {  	s18 =	sld [smem:$0x3FDB];
	_ =	sdelay $0x1  }
0x99: {  	s19 =	simm.s32 $_scs_section_size  }
0x9a: {  	s4 =	simm.s32 $_size__tile_overlayer_lowered;
	s5 =	simm.s32 $_tile_overlayer_lowered  }
0x9b: {  	s22 =	simm.s32 $0x1BFF;
	s21 =	sshll.u32 s5, $0x1;
	s2 =	sadd.s32 s19, s18  }
0x9c: {  	s6 =	simm.s32 $0x0;
	s20 =	sshll.u32 s4, $0x1;
	s4 =	sadd.s32 s21, s2  }
0x9d: {  	[timem:s6], [sflag:s22] =	dma.local [hbm:s4], s20  }
0x9e: {  	_ =	swait.ge [sflag:s22], s20  }
0x9f: {  	s3 =	ssub.s32 $0x0, s20;
	[sflag:s22] =	ssyncset.done $0x0  }
0xa0: {  	[sflag:s22] =	ssyncadd.s32 s3;
	_ =	sdelay $0x1  }
0xa1: {  	s23 =	simm.s32 $0x1B8B  }
0xa2: {  	_ =	swait.ge [sflag:s23], $0x1  }
0xa3: {  	[sflag:s23] =	ssyncset.done $0x0  }
0xa4: {  	s25 =	simm.s32 $0x1B8E;
	s24 =	sld [smem:$0x3FFE];
	[sflag:s23] =	ssyncadd.s32 $0xFFFFFFFF  }
0xa5: {  	s26 =	simm.s32 $execute0_lowered;
	[smem:$0x3FD2] =	sst s25  }
0xa6: {  	s4 =	sshll.u32 s26, $0x1;
	_ =	strace $0x80000046;
	[dreg:$0x1] =	wrdreg $0xFFFFFFFF  }
0xa7: {  	s28 =	simm.s32 $_size_execute0_lowered;
	s2 =	sadd.s32 s2, s4;
	[dreg:$0x0] =	wrdreg $0x0  }
0xa8: {  	s4 =	sshll.u32 s28, $0x1;
	[dreg:$0x2] =	wrdreg s2  }
0xa9: {  	[dreg:$0x3] =	wrdreg s4  }
0xaa: {  	[dreg:$0x4] =	wrdreg $0xC0  }
0xab: {  	_ =	task [dreg:s6], $0x5FFFF  }
0xac: {  	[dreg:$0x1] =	wrdreg $0xFFFFFFFF  }
0xad: {  	[dreg:$0x0] =	wrdreg $0x60  }
0xae: {  	[dreg:$0x2] =	wrdreg s24  }
0xaf: {  	[dreg:$0x3] =	wrdreg $0x79000  }
0xb0: {  	[dreg:$0x4] =	wrdreg $0x9  }
0xb1: {  	_ =	task.clear_ibuf [dreg:s6], $0x5FFFF;
	_ =	strace $0x90000046  }
0xb2: {  	s29 =	simm.s32 $0x9;
	_ =	strace $0x80000048  }
0xb3: {  	_ =	swait.ge [sflag:s29], $0x1  }
0xb4: {  	[sflag:s29] =	ssyncadd.s32 $0xFFFFFFFF  }
0xb5: {  	_ =	strace $0x90000048  }
0xb6: {  	_ =	sfence  }
0xb7: {  	s30 =	sld [smem:$0x0];
	_ =	sdelay $0x2  }
0xb8: {  	s31 =	sshll.u32 s1, $0xD;
	s1 =	sshrl.u32 s1, $0x2  }
0xb9: {  	s3 =	sand.u32 $0x4000, s31;
	s1 =	sadd.s32 s1, s30  }
0xba: {  	s0 =	sor.u32 s3, s0;
	s1 =	sshll.u32 s1, $0x11  }
0xbb: {  	s0 =	sor.u32 s1, s0  }
0xbc: {  	s0 =	sadd.s32 $0x8F2B, s0  }
0xbd: {  	[sflag:s0] =	ssyncadd.remote.s32 $0x1  }
0xbe: {  	_ =	sfence.sel $0xFFFF  }
0xbf: {  	[dreg:$0x0] =	wrdreg $0xFFFFFFFF;
	(pc) =	sbr.abs _section_cstart, $3  }
0xc0: {  	[dreg:$0x1] =	wrdreg $0xFFFFFFFF  }
0xc1: {  	_ =	task.clear_ibuf [dreg:s6], $0x2FFFF;
	_ =	strace $0x9FFFFFFF  }
0xc2: {  	(tm) =	ssettm $0x7FFFFFFF  }
0xc3: {  	_ =	shalt  }
tec
execute0_lowered:
.L_overlay_start_1:
0x0: {  	(tag) =	ssettag $0x1  }
0x1: {  	s0 =	rddreg [dreg:$0x0]  }
0x2: {  	s1 =	rddreg [dreg:$0x1];
	s2 =	simm.s32 $0x0  }
0x3: {  	s3 =	srdreg.scid;
	s17 =	stileid.u32;
	s29 =	simm.s32 $0x100  }
0x4: {  	s30 =	simm.s32 $0x2;
	s31 =	simm.s32 $0x80;
	[smem:$0x7FF] =	sst s2  }
0x5: {  	s3 =	sand.u32 $0x1, s3;
	s4 =	sadd.s32 $0x504C00, s0;
	s5 =	sadd.s32 $0x52BE00, s0  }
0x6: {  	s8 =	smul.u32 $0x14000, s17;
	s9 =	sadd.s32 $0x13400, s0;
	_ =	strace $0x80000047  }
0x7: {  	s6 =	ssub.s32 $0x2, s3;
	s12 =	smul.u32 $0x140000, s3;
	s3 =	sshll.u32 s3, $0x4  }
0x8: {  	s7 =	sshrl.u32 s6, $0x1;
	s10 =	sor.u32 $0x2800, s8;
	s11 =	sadd.s32 $0x5000, s8  }
0x9: {  	s20 =	sadd.s32 $0x7800, s8;
	s21 =	sadd.s32 $0xA000, s8;
	s22 =	sadd.s32 $0xC800, s8  }
0xa: {  	s23 =	sadd.s32 $0xF000, s8;
	s6 =	ssub.s32 s6, s7;
	s7 =	smul.u32 $0x50000, s17  }
0xb: {  	s13 =	sadd.s32 s8, s12;
	s14 =	sadd.s32 s12, s10;
	s8 =	sadd.s32 $0x11800, s8  }
0xc: {  	s25 =	sadd.s32 s12, s11;
	s26 =	sadd.s32 s12, s20;
	s15 =	sadd.s32 s12, s21  }
0xd: {  	s19 =	sadd.s32 s12, s22;
	s20 =	sadd.s32 s20, s1;
	s21 =	sadd.s32 s21, s1  }
0xe: {  	s22 =	sadd.s32 s22, s1;
	s13 =	sshrl.u32 s13, $0x3;
	s14 =	sshrl.u32 s14, $0x3  }
0xf: {  	s16 =	sshrl.u32 s15, $0x3;
	s15 =	sadd.s32 $0x4F4C00, s0;
	s28 =	smax.u32 s6, $0x1  }
0x10: {  	s6 =	simm.s32 $0x5100;
	s13 =	sadd.s32 s9, s13;
	s24 =	sadd.s32 s9, s14  }
0x11: {  	s14 =	sshrl.u32 s26, $0x3;
	s18 =	sadd.s32 s9, s16;
	s7 =	sshrl.u32 s7, $0x2  }
0x12: {  	s16 =	sadd.s32 $0x2C00, s0;
	s26 =	sor.u32 s17, s3;
	[dreg:$0x3] =	wrdreg s13  }
0x13: {  	s3 =	simm.s32 $0x2900;
	[dreg:$0x4] =	wrdreg s24;
	s13 =	sshrl.u32 s25, $0x3  }
0x14: {  	[dreg:$0x7] =	wrdreg s18;
	s24 =	sadd.s32 s12, s23;
	s12 =	sadd.s32 s12, s8  }
0x15: {  	s17 =	sadd.s32 s7, s1;
	s18 =	sadd.s32 s10, s1;
	s23 =	sadd.s32 s23, s1  }
0x16: {  	s7 =	simm.s32 $0x1;
	s13 =	sadd.s32 s9, s13;
	s25 =	sshrl.u32 s24, $0x3  }
0x17: {  	s12 =	sshrl.u32 s12, $0x3;
	[dreg:$0x5] =	wrdreg s13;
	s13 =	sadd.s32 s9, s14  }
0x18: {  	s24 =	sadd.s32 s8, s1;
	[dreg:$0x6] =	wrdreg s13;
	s13 =	sshrl.u32 s19, $0x3  }
0x19: {  	s8 =	simm.s32 $0x0;
	s14 =	sadd.s32 $0x553000, s0;
	s13 =	sadd.s32 s9, s13  }
0x1a: {  	s0 =	simm.s32 $0x50;
	[dreg:$0x8] =	wrdreg s13;
	s13 =	sadd.s32 s9, s25  }
0x1b: {  	s19 =	sadd.s32 s11, s1;
	s9 =	sadd.s32 s9, s12;
	[dreg:$0x9] =	wrdreg s13  }
0x1c: {  	v0 =	vimm.f32 $0.0e+00;
	s25 =	smul.u32 $0x2710, s26;
	s26 =	sshll.u32 s26, $0xB;
	[dreg:$0xa] =	wrdreg s9  }
.LBB2_1:
0x1d: {  	s9 =	simm.s32 $0x0;
	s10 =	simm.s32 $0x200  }
.LBB2_2:
0x1e: {  	p0 =	sne.s32 s10, $0x9E00;
	[tilespmem:s9+$0x170] =	vst v0  }
0x1f: {  	[tilespmem:s9+$0x100] =	vst v0  }
0x20: {  	[tilespmem:s9+$0x110] =	vst v0  }
.Ltmp0:
0x21: {  	[tilespmem:s9+$0x120] =	vst v0;
	(pc) =	sbr.rel @p0 .LBB2_2-.Ltmp0, $4  }
0x22: {  	[tilespmem:s9+$0x130] =	vst v0  }
0x23: {  	[tilespmem:s9+$0x140] =	vst v0  }
0x24: {  	[tilespmem:s9+$0x150] =	vst v0  }
0x25: {  	[tilespmem:s9+$0x160] =	vst v0;
	s9 =	sshra.s32 s10, $0x2;
	s10 =	sadd.s32 $0x200, s10  }
0x26: {  	[tilespmem:s9+$0x170] =	vst v0  }
0x27: {  	[tilespmem:s9+$0x100] =	vst v0  }
0x28: {  	[tilespmem:s9+$0x110] =	vst v0  }
0x29: {  	[tilespmem:s9+$0x120] =	vst v0  }
0x2a: {  	[tilespmem:s9+$0x130] =	vst v0  }
0x2b: {  	[tilespmem:s9+$0x140] =	vst v0  }
0x2c: {  	[tilespmem:s9+$0x150] =	vst v0  }
0x2d: {  	[tilespmem:s9+$0x160] =	vst v0  }
0x2e: {  	[spmem:s17] =	stream.linear.scatter [tilespmem:s29], [sflag:$0x2], $0x2800, $0x38;
	[tilespmem:$0x1B900] =	vst v63  }
0x2f: {  	_ =	swait.ge [sflag:s30], $0x2800  }
0x30: {  	[sflag:s30] =	ssyncset.done $0x0  }
0x31: {  	[sflag:s30] =	ssyncadd.s32 $0xFFFFD800  }
0x32: {  	[spmem:s18] =	stream.linear.scatter [tilespmem:s29], [sflag:$0x2], $0x2800, $0x38;
	[tilespmem:$0x1B900] =	vst v63  }
0x33: {  	_ =	swait.ge [sflag:s30], $0x2800  }
0x34: {  	[sflag:s30] =	ssyncset.done $0x0  }
0x35: {  	[sflag:s30] =	ssyncadd.s32 $0xFFFFD800  }
0x36: {  	[spmem:s19] =	stream.linear.scatter [tilespmem:s29], [sflag:$0x2], $0x2800, $0x38;
	[tilespmem:$0x1B900] =	vst v63  }
0x37: {  	_ =	swait.ge [sflag:s30], $0x2800  }
0x38: {  	[sflag:s30] =	ssyncset.done $0x0  }
0x39: {  	[sflag:s30] =	ssyncadd.s32 $0xFFFFD800  }
0x3a: {  	[spmem:s20] =	stream.linear.scatter [tilespmem:s29], [sflag:$0x2], $0x2800, $0x38;
	[tilespmem:$0x1B900] =	vst v63  }
0x3b: {  	_ =	swait.ge [sflag:s30], $0x2800  }
0x3c: {  	[sflag:s30] =	ssyncset.done $0x0  }
0x3d: {  	[sflag:s30] =	ssyncadd.s32 $0xFFFFD800  }
0x3e: {  	[spmem:s21] =	stream.linear.scatter [tilespmem:s29], [sflag:$0x2], $0x2800, $0x38;
	[tilespmem:$0x1B900] =	vst v63  }
0x3f: {  	_ =	swait.ge [sflag:s30], $0x2800  }
0x40: {  	[sflag:s30] =	ssyncset.done $0x0  }
0x41: {  	[sflag:s30] =	ssyncadd.s32 $0xFFFFD800  }
0x42: {  	[spmem:s22] =	stream.linear.scatter [tilespmem:s29], [sflag:$0x2], $0x2800, $0x38;
	[tilespmem:$0x1B900] =	vst v63  }
0x43: {  	_ =	swait.ge [sflag:s30], $0x2800  }
0x44: {  	[sflag:s30] =	ssyncset.done $0x0  }
0x45: {  	[sflag:s30] =	ssyncadd.s32 $0xFFFFD800  }
0x46: {  	[spmem:s23] =	stream.linear.scatter [tilespmem:s29], [sflag:$0x2], $0x2800, $0x38;
	[tilespmem:$0x1B900] =	vst v63  }
0x47: {  	_ =	swait.ge [sflag:s30], $0x2800  }
0x48: {  	[sflag:s30] =	ssyncset.done $0x0  }
0x49: {  	[sflag:s30] =	ssyncadd.s32 $0xFFFFD800  }
0x4a: {  	[spmem:s24] =	stream.linear.scatter [tilespmem:s29], [sflag:$0x2], $0x2800, $0x38;
	[tilespmem:$0x1B900] =	vst v63  }
0x4b: {  	_ =	swait.ge [sflag:s30], $0x2800  }
0x4c: {  	[sflag:s30] =	ssyncset.done $0x0  }
0x4d: {  	[sflag:s30] =	ssyncadd.s32 $0xFFFFD800  }
0x4e: {  	s9 =	simm.s32 $0x0;
	s10 =	simm.s32 $0x0;
	[bflag:$0x0] =	sbarrier.arrive $0xFFFF  }
.LBB2_4:
0x4f: {  	s11 =	sshll.u32 s10, $0x4  }
0x50: {  	s11 =	sadd.s32 s26, s11  }
0x51: {  	s12 =	sadd.s32 s15, s11  }
0x52: {  	[tilespmem:s9], [sflag:$0x2] =	stream.linear.gather [hbm4b:s12+s9], $0x80, $0x38;
	[tilespmem:$0x1B900] =	vst v63  }
0x53: {  	_ =	swait.ge [sflag:s30], $0x80  }
0x54: {  	[sflag:s30] =	ssyncset.done $0x0  }
0x55: {  	s11 =	sadd.s32 s16, s11;
	[sflag:s30] =	ssyncadd.s32 $0xFFFFFF80  }
0x56: {  	[tilespmem:s31], [sflag:$0x2] =	stream.linear.gather [hbm4b:s11+s9], $0x80, $0x38;
	[tilespmem:$0x1B900] =	vst v63  }
0x57: {  	s13 =	smul.u32 $0x50, s10;
	_ =	swait.ge [sflag:s30], $0x80  }
0x58: {  	[sflag:s30] =	ssyncset.done $0x0  }
0x59: {  	s11 =	sadd.s32 s25, s13;
	[sflag:s30] =	ssyncadd.s32 $0xFFFFFF80  }
0x5a: {  	[tilespmem:s29], [sflag:$0x1] =	stream.indirect.gather [hbm4b:s4+s0], $0x80, s9, s0, $0xb8;
	[tilespmem:$0x1B900] =	vst v63  }
0x5b: {  	s11 =	sshll.u32 s11, $0x4  }
0x5c: {  	[tilespmem:s3], [sflag:$0x1] =	stream.indirect.gather [hbm4b:s5+s0], $0x80, s31, s0, $0xb8;
	[tilespmem:$0x1B900] =	vst v63  }
0x5d: {  	s11 =	sadd.s32 s14, s11  }
0x5e: {  	[tilespmem:s6], [sflag:$0x1] =	stream.linear.gather [hbm4b:s11+s9], $0x2800, $0x38;
	[tilespmem:$0x1B900] =	vst v63  }
0x5f: {  	_ =	swait.ge [sflag:s7], $0x2800  }
0x60: {  	[sflag:s7] =	ssyncset.done $0x0  }
0x61: {  	[sflag:s7] =	ssyncadd.s32 $0xFFFFD800  }
0x62: {  	_ =	swait.ge [sflag:s7], $0x2800  }
0x63: {  	[sflag:s7] =	ssyncset.done $0x0  }
0x64: {  	[sflag:s7] =	ssyncadd.s32 $0xFFFFD800  }
0x65: {  	_ =	swait.ge [sflag:s7], $0x2800  }
0x66: {  	[sflag:s7] =	ssyncset.done $0x0  }
0x67: {  	s11 =	simm.s32 $0x0;
	[sflag:s7] =	ssyncadd.s32 $0xFFFFD800  }
0x68: {  	v5 =	vld [tilespmem:s11+$0x5100]  }
0x69: {  	v6 =	vld [tilespmem:s11+$0x5110]  }
0x6a: {  	v4 =	vld [tilespmem:s11+$0x5120]  }
0x6b: {  	v3 =	vld [tilespmem:s11+$0x5130]  }
0x6c: {  	v2 =	vld [tilespmem:s11+$0x5140]  }
0x6d: {  	v1 =	vld [tilespmem:s11+$0x5150]  }
0x6e: {  	v13 =	vld [tilespmem:s11+$0x2900]  }
0x6f: {  	v18 =	vld [tilespmem:s11+$0x2910]  }
0x70: {  	v12 =	vld [tilespmem:s11+$0x2920]  }
0x71: {  	v11 =	vld [tilespmem:s11+$0x2930]  }
0x72: {  	v10 =	vld [tilespmem:s11+$0x2940]  }
0x73: {  	v9 =	vld [tilespmem:s11+$0x2950]  }
0x74: {  	v8 =	vld [tilespmem:s11+$0x2960]  }
0x75: {  	v7 =	vld [tilespmem:s11+$0x2970]  }
0x76: {  	v19 =	vld [tilespmem:s11+$0x100]  }
0x77: {  	v20 =	vld [tilespmem:s11+$0x110]  }
0x78: {  	v17 =	vld [tilespmem:s11+$0x120]  }
0x79: {  	v16 =	vld [tilespmem:s11+$0x130]  }
0x7a: {  	v15 =	vld [tilespmem:s11+$0x140]  }
0x7b: {  	v14 =	vld [tilespmem:s11+$0x150];
	v19 =	vadd.f32 v13, v19  }
0x7c: {  	s12 =	simm.s32 $0x200;
	v18 =	vadd.f32 v18, v20;
	v13 =	vld [tilespmem:s11+$0x160]  }
.LBB2_5:
0x7d: {  	p0 =	sne.s32 s12, $0x9E00;
	v5 =	vadd.f32 v5, v19;
	v12 =	vadd.f32 v12, v17;
	v17 =	vld [tilespmem:s11+$0x170]  }
0x7e: {  	v6 =	vadd.f32 v6, v18;
	v11 =	vadd.f32 v11, v16;
	v16 =	vld [tilespmem:s11+$0x5160]  }
0x7f: {  	s13 =	sshra.s32 s12, $0x2;
	v18 =	vmax.f32 v5, $0.0e+00;
	v4 =	vadd.f32 v4, v12;
	v10 =	vadd.f32 v10, v15;
	v12 =	vld [tilespmem:s11+$0x5170]  }
0x80: {  	v5 =	vld [tilespmem:s13+$0x5100];
	[tilespmem:s11+$0x100] =	vst v18;
	v15 =	vmax.f32 v6, $0.0e+00;
	v3 =	vadd.f32 v3, v11;
	v9 =	vadd.f32 v9, v14  }
0x81: {  	v6 =	vld [tilespmem:s13+$0x5110];
	[tilespmem:s11+$0x110] =	vst v15;
	v11 =	vmax.f32 v4, $0.0e+00;
	v2 =	vadd.f32 v2, v10;
	v8 =	vadd.f32 v8, v13  }
0x82: {  	v4 =	vld [tilespmem:s13+$0x5120];
	[tilespmem:s11+$0x120] =	vst v11;
	v10 =	vmax.f32 v3, $0.0e+00;
	v1 =	vadd.f32 v1, v9;
	v7 =	vadd.f32 v7, v17  }
0x83: {  	v3 =	vld [tilespmem:s13+$0x5130];
	[tilespmem:s11+$0x130] =	vst v10;
	v9 =	vmax.f32 v2, $0.0e+00;
	v8 =	vadd.f32 v16, v8  }
0x84: {  	v2 =	vld [tilespmem:s13+$0x5140];
	[tilespmem:s11+$0x140] =	vst v9;
	v9 =	vmax.f32 v1, $0.0e+00;
	v7 =	vadd.f32 v12, v7  }
0x85: {  	v1 =	vld [tilespmem:s13+$0x5150];
	[tilespmem:s11+$0x150] =	vst v9;
	v8 =	vmax.f32 v8, $0.0e+00  }
0x86: {  	v13 =	vld [tilespmem:s13+$0x2900];
	[tilespmem:s11+$0x160] =	vst v8;
	v7 =	vmax.f32 v7, $0.0e+00  }
0x87: {  	v18 =	vld [tilespmem:s13+$0x2910];
	[tilespmem:s11+$0x170] =	vst v7;
	s11 =	smov.u32 s13  }
0x88: {  	v12 =	vld [tilespmem:s11+$0x2920]  }
0x89: {  	v11 =	vld [tilespmem:s11+$0x2930]  }
0x8a: {  	v10 =	vld [tilespmem:s11+$0x2940]  }
0x8b: {  	v9 =	vld [tilespmem:s11+$0x2950]  }
0x8c: {  	v8 =	vld [tilespmem:s11+$0x2960]  }
0x8d: {  	v7 =	vld [tilespmem:s11+$0x2970]  }
0x8e: {  	v14 =	vld [tilespmem:s11+$0x100]  }
0x8f: {  	v20 =	vld [tilespmem:s11+$0x110]  }
.Ltmp1:
0x90: {  	v17 =	vld [tilespmem:s11+$0x120];
	(pc) =	sbr.rel @p0 .LBB2_5-.Ltmp1, $4  }
0x91: {  	v16 =	vld [tilespmem:s11+$0x130]  }
0x92: {  	v15 =	vld [tilespmem:s11+$0x140]  }
0x93: {  	v19 =	vadd.f32 v13, v14;
	v14 =	vld [tilespmem:s11+$0x150]  }
0x94: {  	s12 =	sadd.s32 $0x200, s12;
	v18 =	vadd.f32 v18, v20;
	v13 =	vld [tilespmem:s11+$0x160]  }
0x95: {  	v5 =	vadd.f32 v5, v19;
	v12 =	vadd.f32 v12, v17;
	v57 =	vld [tilespmem:s11+$0x170]  }
0x96: {  	v58 =	vld [tilespmem:s11+$0x5160];
	v6 =	vadd.f32 v6, v18;
	v11 =	vadd.f32 v11, v16  }
0x97: {  	v59 =	vld [tilespmem:s11+$0x5170];
	v5 =	vmax.f32 v5, $0.0e+00;
	v4 =	vadd.f32 v4, v12;
	v10 =	vadd.f32 v10, v15  }
0x98: {  	[tilespmem:s11+$0x100] =	vst v5;
	v60 =	vmax.f32 v6, $0.0e+00;
	v3 =	vadd.f32 v3, v11;
	v61 =	vadd.f32 v9, v14  }
0x99: {  	[tilespmem:s11+$0x110] =	vst v60;
	v4 =	vmax.f32 v4, $0.0e+00;
	v2 =	vadd.f32 v2, v10;
	v62 =	vadd.f32 v8, v13  }
0x9a: {  	[tilespmem:s11+$0x120] =	vst v4;
	v3 =	vmax.f32 v3, $0.0e+00;
	v1 =	vadd.f32 v1, v61;
	v63 =	vadd.f32 v7, v57  }
0x9b: {  	[tilespmem:s11+$0x130] =	vst v3;
	v2 =	vmax.f32 v2, $0.0e+00;
	v3 =	vadd.f32 v58, v62  }
0x9c: {  	[tilespmem:s11+$0x140] =	vst v2;
	v1 =	vmax.f32 v1, $0.0e+00;
	v2 =	vadd.f32 v59, v63  }
0x9d: {  	s10 =	sadd.s32 $0x1, s10;
	[tilespmem:s11+$0x150] =	vst v1;
	v1 =	vmax.f32 v3, $0.0e+00  }
0x9e: {  	p0 =	sne.s32 s10, $0x7D;
	[tilespmem:s11+$0x160] =	vst v1;
	v1 =	vmax.f32 v2, $0.0e+00  }
.Ltmp2:
0x9f: {  	[tilespmem:s11+$0x170] =	vst v1;
	(pc) =	sbr.rel @p0 .LBB2_4-.Ltmp2, $4  }
0xa0: {  	[spmem:s1] =	stream.indirect.scatter.add.f32 [tilespmem:s29], [sflag:$0x2], $0x80, s31, s0, $0xb8;
	[tilespmem:$0x1B900] =	vst v63  }
0xa1: {  	_ =	swait.ge [sflag:s30], $0x2800  }
0xa2: {  	[sflag:s30] =	ssyncset.done $0x0  }
0xa3: {  	[sflag:s30] =	ssyncadd.s32 $0xFFFFD800  }
0xa4: {  	[bflag:$0x0] =	sbarrier.arrive $0xFFFF  }
0xa5: {  	[tilespmem:s29], [sflag:$0x2] =	stream.linear.gather [spmem:s17], $0x2800, $0x38;
	[tilespmem:$0x1B900] =	vst v63  }
0xa6: {  	_ =	swait.ge [sflag:s30], $0x2800  }
0xa7: {  	[sflag:s30] =	ssyncset.done $0x0  }
0xa8: {  	s9 =	rddreg [dreg:$0x3];
	[sflag:s30] =	ssyncadd.s32 $0xFFFFD800  }
0xa9: {  	[hbm4b:s9+s2] =	stream.linear.scatter [tilespmem:s29], [sflag:$0x2], $0x2800, $0x38;
	[tilespmem:$0x1B900] =	vst v63  }
0xaa: {  	_ =	swait.ge [sflag:s30], $0x2800  }
0xab: {  	[sflag:s30] =	ssyncset.done $0x0  }
0xac: {  	[sflag:s30] =	ssyncadd.s32 $0xFFFFD800  }
0xad: {  	[tilespmem:s29], [sflag:$0x2] =	stream.linear.gather [spmem:s18], $0x2800, $0x38;
	[tilespmem:$0x1B900] =	vst v63  }
0xae: {  	_ =	swait.ge [sflag:s30], $0x2800  }
0xaf: {  	[sflag:s30] =	ssyncset.done $0x0  }
0xb0: {  	s11 =	rddreg [dreg:$0x4];
	[sflag:s30] =	ssyncadd.s32 $0xFFFFD800  }
0xb1: {  	[hbm4b:s11+s2] =	stream.linear.scatter [tilespmem:s29], [sflag:$0x2], $0x2800, $0x38;
	[tilespmem:$0x1B900] =	vst v63  }
0xb2: {  	_ =	swait.ge [sflag:s30], $0x2800  }
0xb3: {  	[sflag:s30] =	ssyncset.done $0x0  }
0xb4: {  	[sflag:s30] =	ssyncadd.s32 $0xFFFFD800  }
0xb5: {  	[tilespmem:s29], [sflag:$0x2] =	stream.linear.gather [spmem:s19], $0x2800, $0x38;
	[tilespmem:$0x1B900] =	vst v63  }
0xb6: {  	_ =	swait.ge [sflag:s30], $0x2800  }
0xb7: {  	[sflag:s30] =	ssyncset.done $0x0  }
0xb8: {  	s12 =	rddreg [dreg:$0x5];
	[sflag:s30] =	ssyncadd.s32 $0xFFFFD800  }
0xb9: {  	[hbm4b:s12+s2] =	stream.linear.scatter [tilespmem:s29], [sflag:$0x2], $0x2800, $0x38;
	[tilespmem:$0x1B900] =	vst v63  }
0xba: {  	_ =	swait.ge [sflag:s30], $0x2800  }
0xbb: {  	[sflag:s30] =	ssyncset.done $0x0  }
0xbc: {  	[sflag:s30] =	ssyncadd.s32 $0xFFFFD800  }
0xbd: {  	[tilespmem:s29], [sflag:$0x2] =	stream.linear.gather [spmem:s20], $0x2800, $0x38;
	[tilespmem:$0x1B900] =	vst v63  }
0xbe: {  	_ =	swait.ge [sflag:s30], $0x2800  }
0xbf: {  	[sflag:s30] =	ssyncset.done $0x0  }
0xc0: {  	s13 =	rddreg [dreg:$0x6];
	[sflag:s30] =	ssyncadd.s32 $0xFFFFD800  }
0xc1: {  	[hbm4b:s13+s2] =	stream.linear.scatter [tilespmem:s29], [sflag:$0x2], $0x2800, $0x38;
	[tilespmem:$0x1B900] =	vst v63  }
0xc2: {  	_ =	swait.ge [sflag:s30], $0x2800  }
0xc3: {  	[sflag:s30] =	ssyncset.done $0x0  }
0xc4: {  	[sflag:s30] =	ssyncadd.s32 $0xFFFFD800  }
0xc5: {  	[tilespmem:s29], [sflag:$0x2] =	stream.linear.gather [spmem:s21], $0x2800, $0x38;
	[tilespmem:$0x1B900] =	vst v63  }
0xc6: {  	_ =	swait.ge [sflag:s30], $0x2800  }
0xc7: {  	[sflag:s30] =	ssyncset.done $0x0  }
0xc8: {  	s10 =	rddreg [dreg:$0x7];
	[sflag:s30] =	ssyncadd.s32 $0xFFFFD800  }
0xc9: {  	[hbm4b:s10+s2] =	stream.linear.scatter [tilespmem:s29], [sflag:$0x2], $0x2800, $0x38;
	[tilespmem:$0x1B900] =	vst v63  }
0xca: {  	_ =	swait.ge [sflag:s30], $0x2800  }
0xcb: {  	[sflag:s30] =	ssyncset.done $0x0  }
0xcc: {  	[sflag:s30] =	ssyncadd.s32 $0xFFFFD800  }
0xcd: {  	[tilespmem:s29], [sflag:$0x2] =	stream.linear.gather [spmem:s22], $0x2800, $0x38;
	[tilespmem:$0x1B900] =	vst v63  }
0xce: {  	_ =	swait.ge [sflag:s30], $0x2800  }
0xcf: {  	[sflag:s30] =	ssyncset.done $0x0  }
0xd0: {  	s11 =	rddreg [dreg:$0x8];
	[sflag:s30] =	ssyncadd.s32 $0xFFFFD800  }
0xd1: {  	[hbm4b:s11+s2] =	stream.linear.scatter [tilespmem:s29], [sflag:$0x2], $0x2800, $0x38;
	[tilespmem:$0x1B900] =	vst v63  }
0xd2: {  	_ =	swait.ge [sflag:s30], $0x2800  }
0xd3: {  	[sflag:s30] =	ssyncset.done $0x0  }
0xd4: {  	[sflag:s30] =	ssyncadd.s32 $0xFFFFD800  }
0xd5: {  	[tilespmem:s29], [sflag:$0x2] =	stream.linear.gather [spmem:s23], $0x2800, $0x38;
	[tilespmem:$0x1B900] =	vst v63  }
0xd6: {  	_ =	swait.ge [sflag:s30], $0x2800  }
0xd7: {  	[sflag:s30] =	ssyncset.done $0x0  }
0xd8: {  	s12 =	rddreg [dreg:$0x9];
	[sflag:s30] =	ssyncadd.s32 $0xFFFFD800  }
0xd9: {  	[hbm4b:s12+s2] =	stream.linear.scatter [tilespmem:s29], [sflag:$0x2], $0x2800, $0x38;
	[tilespmem:$0x1B900] =	vst v63  }
0xda: {  	_ =	swait.ge [sflag:s30], $0x2800  }
0xdb: {  	[sflag:s30] =	ssyncset.done $0x0  }
0xdc: {  	[sflag:s30] =	ssyncadd.s32 $0xFFFFD800  }
0xdd: {  	[tilespmem:s29], [sflag:$0x2] =	stream.linear.gather [spmem:s24], $0x2800, $0x38;
	[tilespmem:$0x1B900] =	vst v63  }
0xde: {  	s8 =	sadd.s32 $0x1, s8;
	_ =	swait.ge [sflag:s30], $0x2800  }
0xdf: {  	p0 =	sne.s32 s8, s28;
	[sflag:s30] =	ssyncset.done $0x0  }
.Ltmp3:
0xe0: {  	s13 =	rddreg [dreg:$0xa];
	[sflag:s30] =	ssyncadd.s32 $0xFFFFD800;
	(pc) =	sbr.rel @p0 .LBB2_1-.Ltmp3, $4  }
0xe1: {  	[hbm4b:s13+s2] =	stream.linear.scatter [tilespmem:s29], [sflag:$0x2], $0x2800, $0x38;
	[tilespmem:$0x1B900] =	vst v63  }
0xe2: {  	_ =	swait.ge [sflag:s30], $0x2800  }
0xe3: {  	[sflag:s30] =	ssyncset.done $0x0  }
0xe4: {  	[sflag:s30] =	ssyncadd.s32 $0xFFFFD800  }
0xe5: {  	_ =	sfence.sel $0x180000  }
0xe6: {  	[bflag:$0x0] =	sbarrier.arrive $0xFFFF  }
0xe7: {  	_ =	strace $0x90000047  }
0xe8: {  	s0 =	stileid.u32;
	[bflag:$0x2] =	sbarrier.arrive $0xFFFF  }
0xe9: {  	p0 =	sne.s32 s0, $0x0;
	s0 =	rddreg [dreg:$0x2]  }
0xea: {  	s0 =	sadd.s32 @!p0 $0x100000, s0  }
0xeb: {  	[sflag:s0] =	ssyncadd.tile.s32 @!p0 $0x1;
	_ =	shalt  }
.Lfunc_end2:
_tile_overlayer_lowered:
.L_overlay_start_2:
0xec: {  	(tag) =	ssettag $0x2  }
0xed: {  	s0 =	rddreg [dreg:$0x0];
	s2 =	stileid.u32  }
0xee: {  	s1 =	rddreg [dreg:$0x1];
	p0 =	sne.s32 s2, $0x0  }
0xef: {  	s3 =	rddreg [dreg:$0x2];
	[bflag:$0x3] =	sbarrier.arrive $0xFFFF;
	s2 =	simm.s32 @!p0 $0x1C02  }
0xf0: {  	[timem:s3], [sflag:s2] =	dma.local @!p0 [hbm:s0], s1  }
0xf1: {  	s0 =	simm.s32 @!p0 $0x2  }
0xf2: {  	_ =	swait.ge @!p0 [sflag:s0], s1  }
0xf3: {  	s1 =	ssub.s32 @!p0 $0x0, s1;
	[sflag:s0] =	ssyncset.done @!p0 $0x0  }
0xf4: {  	[sflag:s0] =	ssyncadd.s32 @!p0 s1  }
0xf5: {  	[bflag:$0x3] =	sbarrier.arrive $0xFFFF  }
0xf6: {  	_ =	shalt  }

</sc_bundles>
